<compile_context>
chip_gen: v7x
topology: tpu7x:2x2x1
jax: 0.10.2.dev20260603
libtpu: 0.0.44.dev20260713+nightly
codegen_flags: <defaults>
</compile_context>

<pallas_src>
import functools

import jax
import jax.numpy as jnp
from jax import lax
from jax.experimental import pallas as pl
from jax.experimental.pallas import tpu as pltpu
from jax.experimental.pallas import tpu_sc as plsc

NC = 2
NS = 16
NW = NC * NS


def _gather_rows_sc(x, idx, chunk):
    e, w = idx.shape[0], x.shape[1]
    per_w = e // NW
    n_ch = per_w // chunk
    mesh = plsc.VectorSubcoreMesh(core_axis_name="c", subcore_axis_name="s")

    @functools.partial(
        pl.kernel,
        out_type=jax.ShapeDtypeStruct((e, w), jnp.float32),
        mesh=mesh,
        scratch_types=[
            pltpu.VMEM((chunk,), jnp.int32),
            pltpu.VMEM((chunk, w), jnp.float32),
            pltpu.SemaphoreType.DMA,
        ],
        compiler_params=pltpu.CompilerParams(use_tc_tiling_on_sc=False),
    )
    def k(x_hbm, idx_hbm, out_hbm, idx_v, rows_v, sem):
        wid = lax.axis_index("s") * NC + lax.axis_index("c")
        base = wid * per_w

        def body(j, carry):
            off = base + j * chunk
            pltpu.sync_copy(idx_hbm.at[pl.ds(off, chunk)], idx_v)
            pltpu.async_copy(x_hbm.at[idx_v], rows_v, sem).wait()
            pltpu.sync_copy(rows_v, out_hbm.at[pl.ds(off, chunk)])
            return carry

        lax.fori_loop(0, n_ch, body, 0)

    return k(x, idx)


def _scatter_add_sc(msgs, idx, n_nodes, chunk, e0=0, e_len=None):
    e_len = msgs.shape[0] if e_len is None else e_len
    w = msgs.shape[1]
    per_w = e_len // NW
    n_ch = per_w // chunk
    rows_per_tile = n_nodes // NS
    mesh = plsc.VectorSubcoreMesh(core_axis_name="c", subcore_axis_name="s")
    zeros = jnp.zeros((n_nodes, w), jnp.float32)

    @functools.partial(
        pl.kernel,
        out_type=jax.ShapeDtypeStruct((NC, n_nodes, w), jnp.float32),
        mesh=mesh,
        scratch_types=[
            pltpu.VMEM((chunk,), jnp.int32),
            pltpu.VMEM((chunk, w), jnp.float32),
            pltpu.VMEM_SHARED((n_nodes, w), jnp.float32),
            pltpu.SemaphoreType.DMA,
        ],
        compiler_params=pltpu.CompilerParams(use_tc_tiling_on_sc=False),
    )
    def k(msg_hbm, idx_hbm, zeros_hbm, out_hbm, idx_v, rows_v, acc_sh, sem):
        c = lax.axis_index("c")
        s = lax.axis_index("s")
        r0 = s * rows_per_tile
        pltpu.sync_copy(zeros_hbm.at[pl.ds(r0, rows_per_tile)],
                        acc_sh.at[pl.ds(r0, rows_per_tile)])
        plsc.subcore_barrier()

        base = (c * NS + s) * per_w

        def body(j, carry):
            off = base + j * chunk
            pltpu.sync_copy(idx_hbm.at[pl.ds(e0 + off, chunk)], idx_v)
            pltpu.sync_copy(msg_hbm.at[pl.ds(off, chunk)], rows_v)
            pltpu.sync_copy(rows_v, acc_sh.at[idx_v], add=True)
            return carry

        lax.fori_loop(0, n_ch, body, 0)
        plsc.subcore_barrier()
        pltpu.sync_copy(acc_sh.at[pl.ds(r0, rows_per_tile)],
                        out_hbm.at[c, pl.ds(r0, rows_per_tile)])

    return k(msgs, idx, zeros)


def _messages_tc(ea8, xj8, Rp, Tp, W2p, B0p, blk8, blk0, n_blocks):
    e8, pw = ea8.shape

    def body(ea_ref, xj_ref, r_ref, t_ref, w2_ref, b0_ref, out_ref):
        ea_b = ea_ref[...]
        xj_b = xj_ref[...]
        acc = jnp.dot(xj_b, b0_ref[...], preferred_element_type=jnp.float32)
        for p in range(8):
            zp = (jnp.dot(ea_b, r_ref[pl.ds(0, 128), pl.ds(p * 256, 256)],
                          preferred_element_type=jnp.float32)
                  * jnp.dot(xj_b, t_ref[pl.ds(0, 128), pl.ds(p * 256, 256)],
                            preferred_element_type=jnp.float32))
            acc = acc + jnp.dot(zp, w2_ref[pl.ds(p * 256, 256), pl.ds(0, 128)],
                                preferred_element_type=jnp.float32)
        out_ref[...] = acc

    zw = Rp.shape[1]
    return pl.pallas_call(
        body,
        grid=(n_blocks,),
        in_specs=[
            pl.BlockSpec((blk8, pw), lambda i: (i + blk0, 0)),
            pl.BlockSpec((blk8, pw), lambda i: (i + blk0, 0)),
            pl.BlockSpec((pw, zw), lambda i: (0, 0)),
            pl.BlockSpec((pw, zw), lambda i: (0, 0)),
            pl.BlockSpec((zw, pw), lambda i: (0, 0)),
            pl.BlockSpec((pw, pw), lambda i: (0, 0)),
        ],
        out_specs=pl.BlockSpec((blk8, pw), lambda i: (i, 0)),
        out_shape=jax.ShapeDtypeStruct((n_blocks * blk8, pw), jnp.float32),
    )(ea8, xj8, Rp, Tp, W2p, B0p)


def _sum_partials_tc(pa, pb):
    nc, r, c = pa.shape

    def body(a0_ref, a1_ref, b0_ref, b1_ref, out_ref):
        out_ref[...] = (a0_ref[0] + a1_ref[0]) + (b0_ref[0] + b1_ref[0])

    return pl.pallas_call(
        body,
        grid=(1,),
        in_specs=[
            pl.BlockSpec((1, r, c), lambda i: (0, 0, 0)),
            pl.BlockSpec((1, r, c), lambda i: (1, 0, 0)),
            pl.BlockSpec((1, r, c), lambda i: (0, 0, 0)),
            pl.BlockSpec((1, r, c), lambda i: (1, 0, 0)),
        ],
        out_specs=pl.BlockSpec((r, c), lambda i: (0, 0)),
        out_shape=jax.ShapeDtypeStruct((r, c), jnp.float32),
    )(pa, pa, pb, pb)


def kernel(x, senders, receivers, edge_attr, W_nn, b_nn):
    n_nodes, w = x.shape
    d_dim = edge_attr.shape[1]
    senders = senders.astype(jnp.int32)
    receivers = receivers.astype(jnp.int32)
    eye = jnp.eye(w, dtype=jnp.float32)
    i8 = jnp.eye(8, dtype=jnp.float32)
    R = jnp.repeat(eye, w, axis=1)
    T = jnp.tile(eye, (1, d_dim))
    W2 = W_nn.reshape(d_dim * w, w)
    b0 = b_nn.reshape(w, w)
    Rp = jnp.kron(i8, R)
    Tp = jnp.kron(i8, T)
    W2p = jnp.kron(i8, W2)
    B0p = jnp.kron(i8, b0)

    e = senders.shape[0]
    ea8 = edge_attr.reshape(e // 8, 8 * d_dim)
    xj = _gather_rows_sc(x, senders, chunk=5000)
    xj8 = xj.reshape(e // 8, 8 * w)
    blk8 = 2000
    nb1 = 24
    e1 = nb1 * blk8 * 8
    nb2 = e // (8 * blk8) - nb1
    m1 = _messages_tc(ea8, xj8, Rp, Tp, W2p, B0p, blk8, 0, nb1)
    m2 = _messages_tc(ea8, xj8, Rp, Tp, W2p, B0p, blk8, nb1, nb2)
    pa = _scatter_add_sc(m1.reshape(e1, w), receivers, n_nodes, chunk=1000,
                         e0=0, e_len=e1)
    pb = _scatter_add_sc(m2.reshape(e - e1, w), receivers, n_nodes, chunk=1000,
                         e0=e1, e_len=e - e1)
    pa8 = pa.reshape(NC, n_nodes // 8, 8 * w)
    pb8 = pb.reshape(NC, n_nodes // 8, 8 * w)
    return _sum_partials_tc(pa8, pb8).reshape(n_nodes, w)

# --- scband reference (transcript-rebuilt; emitter-appended) ---
"""Pipeline reference for scband-nnconv-22127671509068 (READ-ONLY COPY).

The authoritative reference and input builder live on the scoring server;
editing this copy changes nothing except your own understanding.
"""

import jax, jax.numpy as jnp
import numpy as np

N_NODES = 50000
N_EDGES = 800000
WIDTH = 16
EDGE_DIM = 16

def setup_inputs(seed: int = 0) -> dict:
    key = jax.random.key(seed)
    k_x, k_s, k_r, k_e, k_w, k_b = jax.random.split(key, 6)
    x = jax.random.normal(k_x, (N_NODES, WIDTH), dtype=jnp.float32)
    senders = jax.random.randint(k_s, (N_EDGES,), 0, N_NODES, dtype=jnp.int64 if jax.config.jax_enable_x64 else jnp.int32)
    receivers = jax.random.randint(k_r, (N_EDGES,), 0, N_NODES, dtype=jnp.int64 if jax.config.jax_enable_x64 else jnp.int32)
    edge_attr = jax.random.normal(k_e, (N_EDGES, EDGE_DIM), dtype=jnp.float32)
    # learned params of the edge network nn: Linear(EDGE_DIM -> WIDTH*WIDTH)
    W_nn = jax.random.normal(k_w, (EDGE_DIM, WIDTH * WIDTH), dtype=jnp.float32) * (1.0 / np.sqrt(EDGE_DIM))
    b_nn = jnp.zeros((WIDTH * WIDTH,), dtype=jnp.float32)
    return {"x": x, "senders": senders, "receivers": receivers, "edge_attr": edge_attr, "W_nn": W_nn, "b_nn": b_nn}

def reference(x, senders, receivers, edge_attr, W_nn, b_nn):
    n_segs = x.shape[0]
    # edge network: nn(edge_attr) -> (E, width*width)
    weight = jnp.dot(edge_attr, W_nn) + b_nn
    weight = weight.reshape(-1, WIDTH, WIDTH)
    # gather source node features
    x_j = x[senders][:, None]  # (E, 1, width)
    msgs = jnp.matmul(x_j, weight).squeeze(1)  # (E, width)
    # aggr == 'sum'
    msg = jax.ops.segment_sum(msgs, receivers, num_segments=n_segs)
    updated_x = msg
    return updated_x

if __name__ == "__main__":
    import jax
    _d = setup_inputs()
    print(jax.jit(kernel)(*tuple(_d.values())))

</pallas_src>

<mosaic_0001>
#map = affine_map<(d0, d1) -> (0, 0)>
#map1 = affine_map<(d0, d1) -> (0)>
module attributes {stable_mosaic.version = 14 : i64} {
  func.func @k(%arg0: i32, %arg1: i32, %arg2: memref<50000x16xf32, #tpu.memory_space<hbm>>, %arg3: memref<800000xi32, #tpu.memory_space<hbm>>, %arg4: memref<800000x16xf32, #tpu.memory_space<hbm>>, %arg5: memref<5000xi32, #tpu.memory_space<vmem>>, %arg6: memref<5000x16xf32, #tpu.memory_space<vmem>>, %arg7: memref<!tpu.dma_semaphore, #tpu.memory_space<semaphore_mem>>) attributes {dimension_semantics = [#tpu.dimension_semantics<core_parallel>, #tpu.dimension_semantics<subcore_parallel>], iteration_bounds = array<i64: 2, 16>, scalar_prefetch = 0 : i64, scratch_operands = 3 : i64, tpu.core_type = #tpu.core_type<sc_vector_subcore>, window_params = [{transform_indices = #map}, {transform_indices = #map1}, {transform_indices = #map}]} {
    %mul3A = arith.constant 2 : i32
    %mul3A_0 = arith.muli %arg1, %mul3A : i32
    %add3A = arith.addi %mul3A_0, %arg0 : i32
    %mul3A_1 = arith.constant 25000 : i32
    %mul3A_2 = arith.muli %add3A, %mul3A_1 : i32
    %scan3A = arith.constant 0 : i32
    %scan3A_3 = arith.constant 0 : i32
    %scan3A_4 = arith.constant 5 : i32
    %scan3A_5 = arith.addi %scan3A_3, %scan3A_4 : i32
    %scan3A_6 = arith.constant 1 : i32
    scf.for %scan3A_8 = %scan3A_3 to %scan3A_5 step %scan3A_6  : i32 {
      %mul3A_9 = arith.constant 5000 : i32
      %mul3A_10 = arith.muli %scan3A_8, %mul3A_9 : i32
      %add3A_11 = arith.addi %mul3A_2, %mul3A_10 : i32
      "tpu.region"() ({
        %run_scoped3A = tpu.sem_alloc : memref<!tpu.dma_semaphore, #tpu.memory_space<semaphore_mem>>
        %dma_start3A_16 = tpu.memref_slice %arg3[%add3A_11] : memref<800000xi32, #tpu.memory_space<hbm>> -> memref<5000xi32, #tpu.memory_space<hbm>>
        %dma_start3A_17 = tpu.memref_slice %arg3[%add3A_11] : memref<800000xi32, #tpu.memory_space<hbm>> -> memref<5000xi32, #tpu.memory_space<hbm>>
        tpu.enqueue_dma source(%dma_start3A_17 : memref<5000xi32, #tpu.memory_space<hbm>>) target(%arg5 : memref<5000xi32, #tpu.memory_space<vmem>>) target_semaphore(%run_scoped3A : memref<!tpu.dma_semaphore, #tpu.memory_space<semaphore_mem>>)
        %dma_wait3A_18 = tpu.memref_slice %arg3[%add3A_11] : memref<800000xi32, #tpu.memory_space<hbm>> -> memref<5000xi32, #tpu.memory_space<hbm>>
        %dma_wait3A_19 = tpu.memref_slice %arg3[%add3A_11] : memref<800000xi32, #tpu.memory_space<hbm>> -> memref<5000xi32, #tpu.memory_space<hbm>>
        tpu.wait_dma2 semaphore(%run_scoped3A : memref<!tpu.dma_semaphore, #tpu.memory_space<semaphore_mem>>) src(%dma_wait3A_19 : memref<5000xi32, #tpu.memory_space<hbm>>) dst(%arg5 : memref<5000xi32, #tpu.memory_space<vmem>>)
        tpu.yield
      }) : () -> ()
      %dma_start3A = arith.constant 0 : i32
      %dma_start3A_12 = arith.constant 0 : i32
      %dma_start3A_13 = tpu.memref_slice %arg2[%dma_start3A, %dma_start3A_12] : memref<50000x16xf32, #tpu.memory_space<hbm>> -> memref<50000x16xf32, #tpu.memory_space<hbm>>
      tpu.enqueue_indirect_dma source(%dma_start3A_13 : memref<50000x16xf32, #tpu.memory_space<hbm>>) target(%arg6 : memref<5000x16xf32, #tpu.memory_space<vmem>>) offsets(%arg5 : memref<5000xi32, #tpu.memory_space<vmem>>) semaphore(%arg7 : memref<!tpu.dma_semaphore, #tpu.memory_space<semaphore_mem>>)
      %dma_wait3A = arith.constant 0 : i32
      %dma_wait3A_14 = arith.constant 0 : i32
      %dma_wait3A_15 = tpu.memref_slice %arg2[%dma_wait3A, %dma_wait3A_14] : memref<50000x16xf32, #tpu.memory_space<hbm>> -> memref<50000x16xf32, #tpu.memory_space<hbm>>
      tpu.wait_indirect_dma semaphore(%arg7 : memref<!tpu.dma_semaphore, #tpu.memory_space<semaphore_mem>>) src(%dma_wait3A_15 : memref<50000x16xf32, #tpu.memory_space<hbm>>) dst(%arg6 : memref<5000x16xf32, #tpu.memory_space<vmem>>)
      "tpu.region"() ({
        %run_scoped3A = tpu.sem_alloc : memref<!tpu.dma_semaphore, #tpu.memory_space<semaphore_mem>>
        %dma_start3A_16 = arith.constant 0 : i32
        %dma_start3A_17 = tpu.memref_slice %arg4[%add3A_11, %dma_start3A_16] : memref<800000x16xf32, #tpu.memory_space<hbm>> -> memref<5000x16xf32, #tpu.memory_space<hbm>>
        %dma_start3A_18 = arith.constant 0 : i32
        %dma_start3A_19 = tpu.memref_slice %arg4[%add3A_11, %dma_start3A_18] : memref<800000x16xf32, #tpu.memory_space<hbm>> -> memref<5000x16xf32, #tpu.memory_space<hbm>>
        tpu.enqueue_dma source(%arg6 : memref<5000x16xf32, #tpu.memory_space<vmem>>) target(%dma_start3A_19 : memref<5000x16xf32, #tpu.memory_space<hbm>>) target_semaphore(%run_scoped3A : memref<!tpu.dma_semaphore, #tpu.memory_space<semaphore_mem>>)
        %dma_wait3A_20 = arith.constant 0 : i32
        %dma_wait3A_21 = tpu.memref_slice %arg4[%add3A_11, %dma_wait3A_20] : memref<800000x16xf32, #tpu.memory_space<hbm>> -> memref<5000x16xf32, #tpu.memory_space<hbm>>
        %dma_wait3A_22 = arith.constant 0 : i32
        %dma_wait3A_23 = tpu.memref_slice %arg4[%add3A_11, %dma_wait3A_22] : memref<800000x16xf32, #tpu.memory_space<hbm>> -> memref<5000x16xf32, #tpu.memory_space<hbm>>
        tpu.wait_dma2 semaphore(%run_scoped3A : memref<!tpu.dma_semaphore, #tpu.memory_space<semaphore_mem>>) src(%arg6 : memref<5000x16xf32, #tpu.memory_space<vmem>>) dst(%dma_wait3A_23 : memref<5000x16xf32, #tpu.memory_space<hbm>>)
        tpu.yield
      }) : () -> ()
    }
    %scan3A_7 = arith.constant 5 : i32
    return
  }
}

#map = affine_map<(d0, d1) -> (0, 0)>
#map1 = affine_map<(d0, d1) -> (0)>
#map2 = affine_map<(d0, d1) -> (0, 0, 0)>
module attributes {stable_mosaic.version = 14 : i64} {
  func.func @k(%arg0: i32, %arg1: i32, %arg2: memref<384000x16xf32, #tpu.memory_space<hbm>>, %arg3: memref<800000xi32, #tpu.memory_space<hbm>>, %arg4: memref<50000x16xf32, #tpu.memory_space<hbm>>, %arg5: memref<2x50000x16xf32, #tpu.memory_space<hbm>>, %arg6: memref<1000xi32, #tpu.memory_space<vmem>>, %arg7: memref<1000x16xf32, #tpu.memory_space<vmem>>, %arg8: memref<50000x16xf32, #tpu.memory_space<vmem_shared>>, %arg9: memref<!tpu.dma_semaphore, #tpu.memory_space<semaphore_mem>>) attributes {dimension_semantics = [#tpu.dimension_semantics<core_parallel>, #tpu.dimension_semantics<subcore_parallel>], iteration_bounds = array<i64: 2, 16>, scalar_prefetch = 0 : i64, scratch_operands = 4 : i64, tpu.core_type = #tpu.core_type<sc_vector_subcore>, window_params = [{transform_indices = #map}, {transform_indices = #map1}, {transform_indices = #map}, {transform_indices = #map2}]} {
    %mul3A = arith.constant 3125 : i32
    %mul3A_0 = arith.muli %arg1, %mul3A : i32
    "tpu.region"() ({
      %run_scoped3A = tpu.sem_alloc : memref<!tpu.dma_semaphore, #tpu.memory_space<semaphore_mem>>
      %dma_start3A = arith.constant 0 : i32
      %dma_start3A_11 = tpu.memref_slice %arg8[%mul3A_0, %dma_start3A] : memref<50000x16xf32, #tpu.memory_space<vmem_shared>> -> memref<3125x16xf32, #tpu.memory_space<vmem_shared>>
      %dma_start3A_12 = arith.constant 0 : i32
      %dma_start3A_13 = tpu.memref_slice %arg4[%mul3A_0, %dma_start3A_12] : memref<50000x16xf32, #tpu.memory_space<hbm>> -> memref<3125x16xf32, #tpu.memory_space<hbm>>
      tpu.enqueue_dma source(%dma_start3A_13 : memref<3125x16xf32, #tpu.memory_space<hbm>>) target(%dma_start3A_11 : memref<3125x16xf32, #tpu.memory_space<vmem_shared>>) target_semaphore(%run_scoped3A : memref<!tpu.dma_semaphore, #tpu.memory_space<semaphore_mem>>)
      %dma_wait3A = arith.constant 0 : i32
      %dma_wait3A_14 = tpu.memref_slice %arg8[%mul3A_0, %dma_wait3A] : memref<50000x16xf32, #tpu.memory_space<vmem_shared>> -> memref<3125x16xf32, #tpu.memory_space<vmem_shared>>
      %dma_wait3A_15 = arith.constant 0 : i32
      %dma_wait3A_16 = tpu.memref_slice %arg4[%mul3A_0, %dma_wait3A_15] : memref<50000x16xf32, #tpu.memory_space<hbm>> -> memref<3125x16xf32, #tpu.memory_space<hbm>>
      tpu.wait_dma2 semaphore(%run_scoped3A : memref<!tpu.dma_semaphore, #tpu.memory_space<semaphore_mem>>) src(%dma_wait3A_16 : memref<3125x16xf32, #tpu.memory_space<hbm>>) dst(%dma_wait3A_14 : memref<3125x16xf32, #tpu.memory_space<vmem_shared>>)
      tpu.yield
    }) : () -> ()
    %barrier3A = arith.constant 0 : index
    tpu.barrier barrier_id(%barrier3A)
    %mul3A_1 = arith.constant 16 : i32
    %mul3A_2 = arith.muli %arg0, %mul3A_1 : i32
    %add3A = arith.addi %mul3A_2, %arg1 : i32
    %mul3A_3 = arith.constant 12000 : i32
    %mul3A_4 = arith.muli %add3A, %mul3A_3 : i32
    %scan3A = arith.constant 0 : i32
    %scan3A_5 = arith.constant 0 : i32
    %scan3A_6 = arith.constant 12 : i32
    %scan3A_7 = arith.addi %scan3A_5, %scan3A_6 : i32
    %scan3A_8 = arith.constant 1 : i32
    scf.for %scan3A_11 = %scan3A_5 to %scan3A_7 step %scan3A_8  : i32 {
      %mul3A_12 = arith.constant 1000 : i32
      %mul3A_13 = arith.muli %scan3A_11, %mul3A_12 : i32
      %add3A_14 = arith.addi %mul3A_4, %mul3A_13 : i32
      %add3A_15 = arith.constant 0 : i32
      %add3A_16 = arith.addi %add3A_15, %add3A_14 : i32
      "tpu.region"() ({
        %run_scoped3A = tpu.sem_alloc : memref<!tpu.dma_semaphore, #tpu.memory_space<semaphore_mem>>
        %dma_start3A = tpu.memref_slice %arg3[%add3A_16] : memref<800000xi32, #tpu.memory_space<hbm>> -> memref<1000xi32, #tpu.memory_space<hbm>>
        %dma_start3A_17 = tpu.memref_slice %arg3[%add3A_16] : memref<800000xi32, #tpu.memory_space<hbm>> -> memref<1000xi32, #tpu.memory_space<hbm>>
        tpu.enqueue_dma source(%dma_start3A_17 : memref<1000xi32, #tpu.memory_space<hbm>>) target(%arg6 : memref<1000xi32, #tpu.memory_space<vmem>>) target_semaphore(%run_scoped3A : memref<!tpu.dma_semaphore, #tpu.memory_space<semaphore_mem>>)
        %dma_wait3A = tpu.memref_slice %arg3[%add3A_16] : memref<800000xi32, #tpu.memory_space<hbm>> -> memref<1000xi32, #tpu.memory_space<hbm>>
        %dma_wait3A_18 = tpu.memref_slice %arg3[%add3A_16] : memref<800000xi32, #tpu.memory_space<hbm>> -> memref<1000xi32, #tpu.memory_space<hbm>>
        tpu.wait_dma2 semaphore(%run_scoped3A : memref<!tpu.dma_semaphore, #tpu.memory_space<semaphore_mem>>) src(%dma_wait3A_18 : memref<1000xi32, #tpu.memory_space<hbm>>) dst(%arg6 : memref<1000xi32, #tpu.memory_space<vmem>>)
        tpu.yield
      }) : () -> ()
      "tpu.region"() ({
        %run_scoped3A = tpu.sem_alloc : memref<!tpu.dma_semaphore, #tpu.memory_space<semaphore_mem>>
        %dma_start3A = arith.constant 0 : i32
        %dma_start3A_17 = tpu.memref_slice %arg2[%add3A_14, %dma_start3A] : memref<384000x16xf32, #tpu.memory_space<hbm>> -> memref<1000x16xf32, #tpu.memory_space<hbm>>
        %dma_start3A_18 = arith.constant 0 : i32
        %dma_start3A_19 = tpu.memref_slice %arg2[%add3A_14, %dma_start3A_18] : memref<384000x16xf32, #tpu.memory_space<hbm>> -> memref<1000x16xf32, #tpu.memory_space<hbm>>
        tpu.enqueue_dma source(%dma_start3A_19 : memref<1000x16xf32, #tpu.memory_space<hbm>>) target(%arg7 : memref<1000x16xf32, #tpu.memory_space<vmem>>) target_semaphore(%run_scoped3A : memref<!tpu.dma_semaphore, #tpu.memory_space<semaphore_mem>>)
        %dma_wait3A = arith.constant 0 : i32
        %dma_wait3A_20 = tpu.memref_slice %arg2[%add3A_14, %dma_wait3A] : memref<384000x16xf32, #tpu.memory_space<hbm>> -> memref<1000x16xf32, #tpu.memory_space<hbm>>
        %dma_wait3A_21 = arith.constant 0 : i32
        %dma_wait3A_22 = tpu.memref_slice %arg2[%add3A_14, %dma_wait3A_21] : memref<384000x16xf32, #tpu.memory_space<hbm>> -> memref<1000x16xf32, #tpu.memory_space<hbm>>
        tpu.wait_dma2 semaphore(%run_scoped3A : memref<!tpu.dma_semaphore, #tpu.memory_space<semaphore_mem>>) src(%dma_wait3A_22 : memref<1000x16xf32, #tpu.memory_space<hbm>>) dst(%arg7 : memref<1000x16xf32, #tpu.memory_space<vmem>>)
        tpu.yield
      }) : () -> ()
      "tpu.region"() ({
        %run_scoped3A = tpu.sem_alloc : memref<!tpu.dma_semaphore, #tpu.memory_space<semaphore_mem>>
        %dma_start3A = arith.constant 0 : i32
        %dma_start3A_17 = arith.constant 0 : i32
        %dma_start3A_18 = tpu.memref_slice %arg8[%dma_start3A, %dma_start3A_17] : memref<50000x16xf32, #tpu.memory_space<vmem_shared>> -> memref<50000x16xf32, #tpu.memory_space<vmem_shared>>
        tpu.enqueue_indirect_dma source(%arg7 : memref<1000x16xf32, #tpu.memory_space<vmem>>) target(%dma_start3A_18 : memref<50000x16xf32, #tpu.memory_space<vmem_shared>>) offsets(%arg6 : memref<1000xi32, #tpu.memory_space<vmem>>) semaphore(%run_scoped3A : memref<!tpu.dma_semaphore, #tpu.memory_space<semaphore_mem>>) {add = true}
        %dma_wait3A = arith.constant 0 : i32
        %dma_wait3A_19 = arith.constant 0 : i32
        %dma_wait3A_20 = tpu.memref_slice %arg8[%dma_wait3A, %dma_wait3A_19] : memref<50000x16xf32, #tpu.memory_space<vmem_shared>> -> memref<50000x16xf32, #tpu.memory_space<vmem_shared>>
        tpu.wait_indirect_dma semaphore(%run_scoped3A : memref<!tpu.dma_semaphore, #tpu.memory_space<semaphore_mem>>) src(%arg7 : memref<1000x16xf32, #tpu.memory_space<vmem>>) dst(%dma_wait3A_20 : memref<50000x16xf32, #tpu.memory_space<vmem_shared>>)
        tpu.yield
      }) : () -> ()
    }
    %scan3A_9 = arith.constant 12 : i32
    %barrier3A_10 = arith.constant 0 : index
    tpu.barrier barrier_id(%barrier3A_10)
    "tpu.region"() ({
      %run_scoped3A = tpu.sem_alloc : memref<!tpu.dma_semaphore, #tpu.memory_space<semaphore_mem>>
      %dma_start3A = arith.constant 0 : i32
      %dma_start3A_11 = tpu.memref_slice %arg5[%arg0, %mul3A_0, %dma_start3A] : memref<2x50000x16xf32, #tpu.memory_space<hbm>> -> memref<1x3125x16xf32, #tpu.memory_space<hbm>>
      %dma_start3A_12 = tpu.memref_squeeze %dma_start3A_11 : memref<1x3125x16xf32, #tpu.memory_space<hbm>> -> memref<3125x16xf32, #tpu.memory_space<hbm>>
      %dma_start3A_13 = arith.constant 0 : i32
      %dma_start3A_14 = tpu.memref_slice %arg8[%mul3A_0, %dma_start3A_13] : memref<50000x16xf32, #tpu.memory_space<vmem_shared>> -> memref<3125x16xf32, #tpu.memory_space<vmem_shared>>
      tpu.enqueue_dma source(%dma_start3A_14 : memref<3125x16xf32, #tpu.memory_space<vmem_shared>>) target(%dma_start3A_12 : memref<3125x16xf32, #tpu.memory_space<hbm>>) target_semaphore(%run_scoped3A : memref<!tpu.dma_semaphore, #tpu.memory_space<semaphore_mem>>)
      %dma_wait3A = arith.constant 0 : i32
      %dma_wait3A_15 = tpu.memref_slice %arg5[%arg0, %mul3A_0, %dma_wait3A] : memref<2x50000x16xf32, #tpu.memory_space<hbm>> -> memref<1x3125x16xf32, #tpu.memory_space<hbm>>
      %dma_wait3A_16 = tpu.memref_squeeze %dma_wait3A_15 : memref<1x3125x16xf32, #tpu.memory_space<hbm>> -> memref<3125x16xf32, #tpu.memory_space<hbm>>
      %dma_wait3A_17 = arith.constant 0 : i32
      %dma_wait3A_18 = tpu.memref_slice %arg8[%mul3A_0, %dma_wait3A_17] : memref<50000x16xf32, #tpu.memory_space<vmem_shared>> -> memref<3125x16xf32, #tpu.memory_space<vmem_shared>>
      tpu.wait_dma2 semaphore(%run_scoped3A : memref<!tpu.dma_semaphore, #tpu.memory_space<semaphore_mem>>) src(%dma_wait3A_18 : memref<3125x16xf32, #tpu.memory_space<vmem_shared>>) dst(%dma_wait3A_16 : memref<3125x16xf32, #tpu.memory_space<hbm>>)
      tpu.yield
    }) : () -> ()
    return
  }
}

#map = affine_map<(d0, d1) -> (0, 0)>
#map1 = affine_map<(d0, d1) -> (0)>
#map2 = affine_map<(d0, d1) -> (0, 0, 0)>
module attributes {stable_mosaic.version = 14 : i64} {
  func.func @k(%arg0: i32, %arg1: i32, %arg2: memref<416000x16xf32, #tpu.memory_space<hbm>>, %arg3: memref<800000xi32, #tpu.memory_space<hbm>>, %arg4: memref<50000x16xf32, #tpu.memory_space<hbm>>, %arg5: memref<2x50000x16xf32, #tpu.memory_space<hbm>>, %arg6: memref<1000xi32, #tpu.memory_space<vmem>>, %arg7: memref<1000x16xf32, #tpu.memory_space<vmem>>, %arg8: memref<50000x16xf32, #tpu.memory_space<vmem_shared>>, %arg9: memref<!tpu.dma_semaphore, #tpu.memory_space<semaphore_mem>>) attributes {dimension_semantics = [#tpu.dimension_semantics<core_parallel>, #tpu.dimension_semantics<subcore_parallel>], iteration_bounds = array<i64: 2, 16>, scalar_prefetch = 0 : i64, scratch_operands = 4 : i64, tpu.core_type = #tpu.core_type<sc_vector_subcore>, window_params = [{transform_indices = #map}, {transform_indices = #map1}, {transform_indices = #map}, {transform_indices = #map2}]} {
    %mul3A = arith.constant 3125 : i32
    %mul3A_0 = arith.muli %arg1, %mul3A : i32
    "tpu.region"() ({
      %run_scoped3A = tpu.sem_alloc : memref<!tpu.dma_semaphore, #tpu.memory_space<semaphore_mem>>
      %dma_start3A = arith.constant 0 : i32
      %dma_start3A_11 = tpu.memref_slice %arg8[%mul3A_0, %dma_start3A] : memref<50000x16xf32, #tpu.memory_space<vmem_shared>> -> memref<3125x16xf32, #tpu.memory_space<vmem_shared>>
      %dma_start3A_12 = arith.constant 0 : i32
      %dma_start3A_13 = tpu.memref_slice %arg4[%mul3A_0, %dma_start3A_12] : memref<50000x16xf32, #tpu.memory_space<hbm>> -> memref<3125x16xf32, #tpu.memory_space<hbm>>
      tpu.enqueue_dma source(%dma_start3A_13 : memref<3125x16xf32, #tpu.memory_space<hbm>>) target(%dma_start3A_11 : memref<3125x16xf32, #tpu.memory_space<vmem_shared>>) target_semaphore(%run_scoped3A : memref<!tpu.dma_semaphore, #tpu.memory_space<semaphore_mem>>)
      %dma_wait3A = arith.constant 0 : i32
      %dma_wait3A_14 = tpu.memref_slice %arg8[%mul3A_0, %dma_wait3A] : memref<50000x16xf32, #tpu.memory_space<vmem_shared>> -> memref<3125x16xf32, #tpu.memory_space<vmem_shared>>
      %dma_wait3A_15 = arith.constant 0 : i32
      %dma_wait3A_16 = tpu.memref_slice %arg4[%mul3A_0, %dma_wait3A_15] : memref<50000x16xf32, #tpu.memory_space<hbm>> -> memref<3125x16xf32, #tpu.memory_space<hbm>>
      tpu.wait_dma2 semaphore(%run_scoped3A : memref<!tpu.dma_semaphore, #tpu.memory_space<semaphore_mem>>) src(%dma_wait3A_16 : memref<3125x16xf32, #tpu.memory_space<hbm>>) dst(%dma_wait3A_14 : memref<3125x16xf32, #tpu.memory_space<vmem_shared>>)
      tpu.yield
    }) : () -> ()
    %barrier3A = arith.constant 0 : index
    tpu.barrier barrier_id(%barrier3A)
    %mul3A_1 = arith.constant 16 : i32
    %mul3A_2 = arith.muli %arg0, %mul3A_1 : i32
    %add3A = arith.addi %mul3A_2, %arg1 : i32
    %mul3A_3 = arith.constant 13000 : i32
    %mul3A_4 = arith.muli %add3A, %mul3A_3 : i32
    %scan3A = arith.constant 0 : i32
    %scan3A_5 = arith.constant 0 : i32
    %scan3A_6 = arith.constant 13 : i32
    %scan3A_7 = arith.addi %scan3A_5, %scan3A_6 : i32
    %scan3A_8 = arith.constant 1 : i32
    scf.for %scan3A_11 = %scan3A_5 to %scan3A_7 step %scan3A_8  : i32 {
      %mul3A_12 = arith.constant 1000 : i32
      %mul3A_13 = arith.muli %scan3A_11, %mul3A_12 : i32
      %add3A_14 = arith.addi %mul3A_4, %mul3A_13 : i32
      %add3A_15 = arith.constant 384000 : i32
      %add3A_16 = arith.addi %add3A_15, %add3A_14 : i32
      "tpu.region"() ({
        %run_scoped3A = tpu.sem_alloc : memref<!tpu.dma_semaphore, #tpu.memory_space<semaphore_mem>>
        %dma_start3A = tpu.memref_slice %arg3[%add3A_16] : memref<800000xi32, #tpu.memory_space<hbm>> -> memref<1000xi32, #tpu.memory_space<hbm>>
        %dma_start3A_17 = tpu.memref_slice %arg3[%add3A_16] : memref<800000xi32, #tpu.memory_space<hbm>> -> memref<1000xi32, #tpu.memory_space<hbm>>
        tpu.enqueue_dma source(%dma_start3A_17 : memref<1000xi32, #tpu.memory_space<hbm>>) target(%arg6 : memref<1000xi32, #tpu.memory_space<vmem>>) target_semaphore(%run_scoped3A : memref<!tpu.dma_semaphore, #tpu.memory_space<semaphore_mem>>)
        %dma_wait3A = tpu.memref_slice %arg3[%add3A_16] : memref<800000xi32, #tpu.memory_space<hbm>> -> memref<1000xi32, #tpu.memory_space<hbm>>
        %dma_wait3A_18 = tpu.memref_slice %arg3[%add3A_16] : memref<800000xi32, #tpu.memory_space<hbm>> -> memref<1000xi32, #tpu.memory_space<hbm>>
        tpu.wait_dma2 semaphore(%run_scoped3A : memref<!tpu.dma_semaphore, #tpu.memory_space<semaphore_mem>>) src(%dma_wait3A_18 : memref<1000xi32, #tpu.memory_space<hbm>>) dst(%arg6 : memref<1000xi32, #tpu.memory_space<vmem>>)
        tpu.yield
      }) : () -> ()
      "tpu.region"() ({
        %run_scoped3A = tpu.sem_alloc : memref<!tpu.dma_semaphore, #tpu.memory_space<semaphore_mem>>
        %dma_start3A = arith.constant 0 : i32
        %dma_start3A_17 = tpu.memref_slice %arg2[%add3A_14, %dma_start3A] : memref<416000x16xf32, #tpu.memory_space<hbm>> -> memref<1000x16xf32, #tpu.memory_space<hbm>>
        %dma_start3A_18 = arith.constant 0 : i32
        %dma_start3A_19 = tpu.memref_slice %arg2[%add3A_14, %dma_start3A_18] : memref<416000x16xf32, #tpu.memory_space<hbm>> -> memref<1000x16xf32, #tpu.memory_space<hbm>>
        tpu.enqueue_dma source(%dma_start3A_19 : memref<1000x16xf32, #tpu.memory_space<hbm>>) target(%arg7 : memref<1000x16xf32, #tpu.memory_space<vmem>>) target_semaphore(%run_scoped3A : memref<!tpu.dma_semaphore, #tpu.memory_space<semaphore_mem>>)
        %dma_wait3A = arith.constant 0 : i32
        %dma_wait3A_20 = tpu.memref_slice %arg2[%add3A_14, %dma_wait3A] : memref<416000x16xf32, #tpu.memory_space<hbm>> -> memref<1000x16xf32, #tpu.memory_space<hbm>>
        %dma_wait3A_21 = arith.constant 0 : i32
        %dma_wait3A_22 = tpu.memref_slice %arg2[%add3A_14, %dma_wait3A_21] : memref<416000x16xf32, #tpu.memory_space<hbm>> -> memref<1000x16xf32, #tpu.memory_space<hbm>>
        tpu.wait_dma2 semaphore(%run_scoped3A : memref<!tpu.dma_semaphore, #tpu.memory_space<semaphore_mem>>) src(%dma_wait3A_22 : memref<1000x16xf32, #tpu.memory_space<hbm>>) dst(%arg7 : memref<1000x16xf32, #tpu.memory_space<vmem>>)
        tpu.yield
      }) : () -> ()
      "tpu.region"() ({
        %run_scoped3A = tpu.sem_alloc : memref<!tpu.dma_semaphore, #tpu.memory_space<semaphore_mem>>
        %dma_start3A = arith.constant 0 : i32
        %dma_start3A_17 = arith.constant 0 : i32
        %dma_start3A_18 = tpu.memref_slice %arg8[%dma_start3A, %dma_start3A_17] : memref<50000x16xf32, #tpu.memory_space<vmem_shared>> -> memref<50000x16xf32, #tpu.memory_space<vmem_shared>>
        tpu.enqueue_indirect_dma source(%arg7 : memref<1000x16xf32, #tpu.memory_space<vmem>>) target(%dma_start3A_18 : memref<50000x16xf32, #tpu.memory_space<vmem_shared>>) offsets(%arg6 : memref<1000xi32, #tpu.memory_space<vmem>>) semaphore(%run_scoped3A : memref<!tpu.dma_semaphore, #tpu.memory_space<semaphore_mem>>) {add = true}
        %dma_wait3A = arith.constant 0 : i32
        %dma_wait3A_19 = arith.constant 0 : i32
        %dma_wait3A_20 = tpu.memref_slice %arg8[%dma_wait3A, %dma_wait3A_19] : memref<50000x16xf32, #tpu.memory_space<vmem_shared>> -> memref<50000x16xf32, #tpu.memory_space<vmem_shared>>
        tpu.wait_indirect_dma semaphore(%run_scoped3A : memref<!tpu.dma_semaphore, #tpu.memory_space<semaphore_mem>>) src(%arg7 : memref<1000x16xf32, #tpu.memory_space<vmem>>) dst(%dma_wait3A_20 : memref<50000x16xf32, #tpu.memory_space<vmem_shared>>)
        tpu.yield
      }) : () -> ()
    }
    %scan3A_9 = arith.constant 13 : i32
    %barrier3A_10 = arith.constant 0 : index
    tpu.barrier barrier_id(%barrier3A_10)
    "tpu.region"() ({
      %run_scoped3A = tpu.sem_alloc : memref<!tpu.dma_semaphore, #tpu.memory_space<semaphore_mem>>
      %dma_start3A = arith.constant 0 : i32
      %dma_start3A_11 = tpu.memref_slice %arg5[%arg0, %mul3A_0, %dma_start3A] : memref<2x50000x16xf32, #tpu.memory_space<hbm>> -> memref<1x3125x16xf32, #tpu.memory_space<hbm>>
      %dma_start3A_12 = tpu.memref_squeeze %dma_start3A_11 : memref<1x3125x16xf32, #tpu.memory_space<hbm>> -> memref<3125x16xf32, #tpu.memory_space<hbm>>
      %dma_start3A_13 = arith.constant 0 : i32
      %dma_start3A_14 = tpu.memref_slice %arg8[%mul3A_0, %dma_start3A_13] : memref<50000x16xf32, #tpu.memory_space<vmem_shared>> -> memref<3125x16xf32, #tpu.memory_space<vmem_shared>>
      tpu.enqueue_dma source(%dma_start3A_14 : memref<3125x16xf32, #tpu.memory_space<vmem_shared>>) target(%dma_start3A_12 : memref<3125x16xf32, #tpu.memory_space<hbm>>) target_semaphore(%run_scoped3A : memref<!tpu.dma_semaphore, #tpu.memory_space<semaphore_mem>>)
      %dma_wait3A = arith.constant 0 : i32
      %dma_wait3A_15 = tpu.memref_slice %arg5[%arg0, %mul3A_0, %dma_wait3A] : memref<2x50000x16xf32, #tpu.memory_space<hbm>> -> memref<1x3125x16xf32, #tpu.memory_space<hbm>>
      %dma_wait3A_16 = tpu.memref_squeeze %dma_wait3A_15 : memref<1x3125x16xf32, #tpu.memory_space<hbm>> -> memref<3125x16xf32, #tpu.memory_space<hbm>>
      %dma_wait3A_17 = arith.constant 0 : i32
      %dma_wait3A_18 = tpu.memref_slice %arg8[%mul3A_0, %dma_wait3A_17] : memref<50000x16xf32, #tpu.memory_space<vmem_shared>> -> memref<3125x16xf32, #tpu.memory_space<vmem_shared>>
      tpu.wait_dma2 semaphore(%run_scoped3A : memref<!tpu.dma_semaphore, #tpu.memory_space<semaphore_mem>>) src(%dma_wait3A_18 : memref<3125x16xf32, #tpu.memory_space<vmem_shared>>) dst(%dma_wait3A_16 : memref<3125x16xf32, #tpu.memory_space<hbm>>)
      tpu.yield
    }) : () -> ()
    return
  }
}

module attributes {stable_mosaic.version = 14 : i64} {
  func.func @body(%arg0: i32, %arg1: memref<2000x128xf32, #tpu.memory_space<vmem>>, %arg2: memref<2000x128xf32, #tpu.memory_space<vmem>>, %arg3: memref<128x2048xf32, #tpu.memory_space<vmem>>, %arg4: memref<128x2048xf32, #tpu.memory_space<vmem>>, %arg5: memref<2048x128xf32, #tpu.memory_space<vmem>>, %arg6: memref<128x128xf32, #tpu.memory_space<vmem>>, %arg7: memref<2000x128xf32, #tpu.memory_space<vmem>>) attributes {dimension_semantics = [#tpu.dimension_semantics<arbitrary>], iteration_bounds = array<i64: 24>, scalar_prefetch = 0 : i64, scratch_operands = 0 : i64, tpu.core_type = #tpu.core_type<tc>, window_params = [{transform_indices = @transform_0, window_bounds = array<i64: 2000, 128>}, {transform_indices = @transform_1, window_bounds = array<i64: 2000, 128>}, {pipeline_mode = #tpu.pipeline_mode<synchronous>, transform_indices = @transform_2, window_bounds = array<i64: 128, 2048>}, {pipeline_mode = #tpu.pipeline_mode<synchronous>, transform_indices = @transform_3, window_bounds = array<i64: 128, 2048>}, {pipeline_mode = #tpu.pipeline_mode<synchronous>, transform_indices = @transform_4, window_bounds = array<i64: 2048, 128>}, {pipeline_mode = #tpu.pipeline_mode<synchronous>, transform_indices = @transform_5, window_bounds = array<i64: 128, 128>}, {transform_indices = @transform_6, window_bounds = array<i64: 2000, 128>}]} {
    %get3A = arith.constant 0 : index
    %get3A_0 = arith.constant 0 : index
    %get3A_1 = vector.load %arg1[%get3A, %get3A_0] : memref<2000x128xf32, #tpu.memory_space<vmem>>, vector<2000x128xf32>
    %get3A_2 = arith.constant 0 : index
    %get3A_3 = arith.constant 0 : index
    %get3A_4 = vector.load %arg2[%get3A_2, %get3A_3] : memref<2000x128xf32, #tpu.memory_space<vmem>>, vector<2000x128xf32>
    %get3A_5 = arith.constant 0 : index
    %get3A_6 = arith.constant 0 : index
    %get3A_7 = vector.load %arg6[%get3A_5, %get3A_6] : memref<128x128xf32, #tpu.memory_space<vmem>>, vector<128x128xf32>
    %dot_general3A = arith.constant dense<0.000000e+00> : vector<2000x128xf32>
    %dot_general3A_8 = tpu.matmul %get3A_4, %get3A_7, %dot_general3A {dimension_numbers = #tpu.dot_dimension_numbers<[1], [0], [0], [1], [0, 0, 1, 1], [], []>, transpose_lhs_hint = false} : vector<2000x128xf32>, vector<128x128xf32>, vector<2000x128xf32> -> vector<2000x128xf32>
    %get3A_9 = arith.constant 0 : index
    %get3A_10 = arith.constant 0 : index
    %get3A_11 = vector.load %arg3[%get3A_9, %get3A_10] : memref<128x2048xf32, #tpu.memory_space<vmem>>, vector<128x256xf32>
    %dot_general3A_12 = arith.constant dense<0.000000e+00> : vector<2000x256xf32>
    %dot_general3A_13 = tpu.matmul %get3A_1, %get3A_11, %dot_general3A_12 {dimension_numbers = #tpu.dot_dimension_numbers<[1], [0], [0], [1], [0, 0, 1, 1], [], []>, transpose_lhs_hint = false} : vector<2000x128xf32>, vector<128x256xf32>, vector<2000x256xf32> -> vector<2000x256xf32>
    %get3A_14 = arith.constant 0 : index
    %get3A_15 = arith.constant 0 : index
    %get3A_16 = vector.load %arg4[%get3A_14, %get3A_15] : memref<128x2048xf32, #tpu.memory_space<vmem>>, vector<128x256xf32>
    %dot_general3A_17 = arith.constant dense<0.000000e+00> : vector<2000x256xf32>
    %dot_general3A_18 = tpu.matmul %get3A_4, %get3A_16, %dot_general3A_17 {dimension_numbers = #tpu.dot_dimension_numbers<[1], [0], [0], [1], [0, 0, 1, 1], [], []>, transpose_lhs_hint = false} : vector<2000x128xf32>, vector<128x256xf32>, vector<2000x256xf32> -> vector<2000x256xf32>
    %mul3A = arith.mulf %dot_general3A_13, %dot_general3A_18 : vector<2000x256xf32>
    %get3A_19 = arith.constant 0 : index
    %get3A_20 = arith.constant 0 : index
    %get3A_21 = vector.load %arg5[%get3A_19, %get3A_20] : memref<2048x128xf32, #tpu.memory_space<vmem>>, vector<256x128xf32>
    %dot_general3A_22 = arith.constant dense<0.000000e+00> : vector<2000x128xf32>
    %dot_general3A_23 = tpu.matmul %mul3A, %get3A_21, %dot_general3A_22 {dimension_numbers = #tpu.dot_dimension_numbers<[1], [0], [0], [1], [0, 0, 1, 1], [], []>, transpose_lhs_hint = false} : vector<2000x256xf32>, vector<256x128xf32>, vector<2000x128xf32> -> vector<2000x128xf32>
    %add3A = arith.addf %dot_general3A_8, %dot_general3A_23 : vector<2000x128xf32>
    %get3A_24 = arith.constant 0 : index
    %get3A_25 = arith.constant 256 : index
    %get3A_26 = vector.load %arg3[%get3A_24, %get3A_25] : memref<128x2048xf32, #tpu.memory_space<vmem>>, vector<128x256xf32>
    %dot_general3A_27 = arith.constant dense<0.000000e+00> : vector<2000x256xf32>
    %dot_general3A_28 = tpu.matmul %get3A_1, %get3A_26, %dot_general3A_27 {dimension_numbers = #tpu.dot_dimension_numbers<[1], [0], [0], [1], [0, 0, 1, 1], [], []>, transpose_lhs_hint = false} : vector<2000x128xf32>, vector<128x256xf32>, vector<2000x256xf32> -> vector<2000x256xf32>
    %get3A_29 = arith.constant 0 : index
    %get3A_30 = arith.constant 256 : index
    %get3A_31 = vector.load %arg4[%get3A_29, %get3A_30] : memref<128x2048xf32, #tpu.memory_space<vmem>>, vector<128x256xf32>
    %dot_general3A_32 = arith.constant dense<0.000000e+00> : vector<2000x256xf32>
    %dot_general3A_33 = tpu.matmul %get3A_4, %get3A_31, %dot_general3A_32 {dimension_numbers = #tpu.dot_dimension_numbers<[1], [0], [0], [1], [0, 0, 1, 1], [], []>, transpose_lhs_hint = false} : vector<2000x128xf32>, vector<128x256xf32>, vector<2000x256xf32> -> vector<2000x256xf32>
    %mul3A_34 = arith.mulf %dot_general3A_28, %dot_general3A_33 : vector<2000x256xf32>
    %get3A_35 = arith.constant 256 : index
    %get3A_36 = arith.constant 0 : index
    %get3A_37 = vector.load %arg5[%get3A_35, %get3A_36] : memref<2048x128xf32, #tpu.memory_space<vmem>>, vector<256x128xf32>
    %dot_general3A_38 = arith.constant dense<0.000000e+00> : vector<2000x128xf32>
    %dot_general3A_39 = tpu.matmul %mul3A_34, %get3A_37, %dot_general3A_38 {dimension_numbers = #tpu.dot_dimension_numbers<[1], [0], [0], [1], [0, 0, 1, 1], [], []>, transpose_lhs_hint = false} : vector<2000x256xf32>, vector<256x128xf32>, vector<2000x128xf32> -> vector<2000x128xf32>
    %add3A_40 = arith.addf %add3A, %dot_general3A_39 : vector<2000x128xf32>
    %get3A_41 = arith.constant 0 : index
    %get3A_42 = arith.constant 512 : index
    %get3A_43 = vector.load %arg3[%get3A_41, %get3A_42] : memref<128x2048xf32, #tpu.memory_space<vmem>>, vector<128x256xf32>
    %dot_general3A_44 = arith.constant dense<0.000000e+00> : vector<2000x256xf32>
    %dot_general3A_45 = tpu.matmul %get3A_1, %get3A_43, %dot_general3A_44 {dimension_numbers = #tpu.dot_dimension_numbers<[1], [0], [0], [1], [0, 0, 1, 1], [], []>, transpose_lhs_hint = false} : vector<2000x128xf32>, vector<128x256xf32>, vector<2000x256xf32> -> vector<2000x256xf32>
    %get3A_46 = arith.constant 0 : index
    %get3A_47 = arith.constant 512 : index
    %get3A_48 = vector.load %arg4[%get3A_46, %get3A_47] : memref<128x2048xf32, #tpu.memory_space<vmem>>, vector<128x256xf32>
    %dot_general3A_49 = arith.constant dense<0.000000e+00> : vector<2000x256xf32>
    %dot_general3A_50 = tpu.matmul %get3A_4, %get3A_48, %dot_general3A_49 {dimension_numbers = #tpu.dot_dimension_numbers<[1], [0], [0], [1], [0, 0, 1, 1], [], []>, transpose_lhs_hint = false} : vector<2000x128xf32>, vector<128x256xf32>, vector<2000x256xf32> -> vector<2000x256xf32>
    %mul3A_51 = arith.mulf %dot_general3A_45, %dot_general3A_50 : vector<2000x256xf32>
    %get3A_52 = arith.constant 512 : index
    %get3A_53 = arith.constant 0 : index
    %get3A_54 = vector.load %arg5[%get3A_52, %get3A_53] : memref<2048x128xf32, #tpu.memory_space<vmem>>, vector<256x128xf32>
    %dot_general3A_55 = arith.constant dense<0.000000e+00> : vector<2000x128xf32>
    %dot_general3A_56 = tpu.matmul %mul3A_51, %get3A_54, %dot_general3A_55 {dimension_numbers = #tpu.dot_dimension_numbers<[1], [0], [0], [1], [0, 0, 1, 1], [], []>, transpose_lhs_hint = false} : vector<2000x256xf32>, vector<256x128xf32>, vector<2000x128xf32> -> vector<2000x128xf32>
    %add3A_57 = arith.addf %add3A_40, %dot_general3A_56 : vector<2000x128xf32>
    %get3A_58 = arith.constant 0 : index
    %get3A_59 = arith.constant 768 : index
    %get3A_60 = vector.load %arg3[%get3A_58, %get3A_59] : memref<128x2048xf32, #tpu.memory_space<vmem>>, vector<128x256xf32>
    %dot_general3A_61 = arith.constant dense<0.000000e+00> : vector<2000x256xf32>
    %dot_general3A_62 = tpu.matmul %get3A_1, %get3A_60, %dot_general3A_61 {dimension_numbers = #tpu.dot_dimension_numbers<[1], [0], [0], [1], [0, 0, 1, 1], [], []>, transpose_lhs_hint = false} : vector<2000x128xf32>, vector<128x256xf32>, vector<2000x256xf32> -> vector<2000x256xf32>
    %get3A_63 = arith.constant 0 : index
    %get3A_64 = arith.constant 768 : index
    %get3A_65 = vector.load %arg4[%get3A_63, %get3A_64] : memref<128x2048xf32, #tpu.memory_space<vmem>>, vector<128x256xf32>
    %dot_general3A_66 = arith.constant dense<0.000000e+00> : vector<2000x256xf32>
    %dot_general3A_67 = tpu.matmul %get3A_4, %get3A_65, %dot_general3A_66 {dimension_numbers = #tpu.dot_dimension_numbers<[1], [0], [0], [1], [0, 0, 1, 1], [], []>, transpose_lhs_hint = false} : vector<2000x128xf32>, vector<128x256xf32>, vector<2000x256xf32> -> vector<2000x256xf32>
    %mul3A_68 = arith.mulf %dot_general3A_62, %dot_general3A_67 : vector<2000x256xf32>
    %get3A_69 = arith.constant 768 : index
    %get3A_70 = arith.constant 0 : index
    %get3A_71 = vector.load %arg5[%get3A_69, %get3A_70] : memref<2048x128xf32, #tpu.memory_space<vmem>>, vector<256x128xf32>
    %dot_general3A_72 = arith.constant dense<0.000000e+00> : vector<2000x128xf32>
    %dot_general3A_73 = tpu.matmul %mul3A_68, %get3A_71, %dot_general3A_72 {dimension_numbers = #tpu.dot_dimension_numbers<[1], [0], [0], [1], [0, 0, 1, 1], [], []>, transpose_lhs_hint = false} : vector<2000x256xf32>, vector<256x128xf32>, vector<2000x128xf32> -> vector<2000x128xf32>
    %add3A_74 = arith.addf %add3A_57, %dot_general3A_73 : vector<2000x128xf32>
    %get3A_75 = arith.constant 0 : index
    %get3A_76 = arith.constant 1024 : index
    %get3A_77 = vector.load %arg3[%get3A_75, %get3A_76] : memref<128x2048xf32, #tpu.memory_space<vmem>>, vector<128x256xf32>
    %dot_general3A_78 = arith.constant dense<0.000000e+00> : vector<2000x256xf32>
    %dot_general3A_79 = tpu.matmul %get3A_1, %get3A_77, %dot_general3A_78 {dimension_numbers = #tpu.dot_dimension_numbers<[1], [0], [0], [1], [0, 0, 1, 1], [], []>, transpose_lhs_hint = false} : vector<2000x128xf32>, vector<128x256xf32>, vector<2000x256xf32> -> vector<2000x256xf32>
    %get3A_80 = arith.constant 0 : index
    %get3A_81 = arith.constant 1024 : index
    %get3A_82 = vector.load %arg4[%get3A_80, %get3A_81] : memref<128x2048xf32, #tpu.memory_space<vmem>>, vector<128x256xf32>
    %dot_general3A_83 = arith.constant dense<0.000000e+00> : vector<2000x256xf32>
    %dot_general3A_84 = tpu.matmul %get3A_4, %get3A_82, %dot_general3A_83 {dimension_numbers = #tpu.dot_dimension_numbers<[1], [0], [0], [1], [0, 0, 1, 1], [], []>, transpose_lhs_hint = false} : vector<2000x128xf32>, vector<128x256xf32>, vector<2000x256xf32> -> vector<2000x256xf32>
    %mul3A_85 = arith.mulf %dot_general3A_79, %dot_general3A_84 : vector<2000x256xf32>
    %get3A_86 = arith.constant 1024 : index
    %get3A_87 = arith.constant 0 : index
    %get3A_88 = vector.load %arg5[%get3A_86, %get3A_87] : memref<2048x128xf32, #tpu.memory_space<vmem>>, vector<256x128xf32>
    %dot_general3A_89 = arith.constant dense<0.000000e+00> : vector<2000x128xf32>
    %dot_general3A_90 = tpu.matmul %mul3A_85, %get3A_88, %dot_general3A_89 {dimension_numbers = #tpu.dot_dimension_numbers<[1], [0], [0], [1], [0, 0, 1, 1], [], []>, transpose_lhs_hint = false} : vector<2000x256xf32>, vector<256x128xf32>, vector<2000x128xf32> -> vector<2000x128xf32>
    %add3A_91 = arith.addf %add3A_74, %dot_general3A_90 : vector<2000x128xf32>
    %get3A_92 = arith.constant 0 : index
    %get3A_93 = arith.constant 1280 : index
    %get3A_94 = vector.load %arg3[%get3A_92, %get3A_93] : memref<128x2048xf32, #tpu.memory_space<vmem>>, vector<128x256xf32>
    %dot_general3A_95 = arith.constant dense<0.000000e+00> : vector<2000x256xf32>
    %dot_general3A_96 = tpu.matmul %get3A_1, %get3A_94, %dot_general3A_95 {dimension_numbers = #tpu.dot_dimension_numbers<[1], [0], [0], [1], [0, 0, 1, 1], [], []>, transpose_lhs_hint = false} : vector<2000x128xf32>, vector<128x256xf32>, vector<2000x256xf32> -> vector<2000x256xf32>
    %get3A_97 = arith.constant 0 : index
    %get3A_98 = arith.constant 1280 : index
    %get3A_99 = vector.load %arg4[%get3A_97, %get3A_98] : memref<128x2048xf32, #tpu.memory_space<vmem>>, vector<128x256xf32>
    %dot_general3A_100 = arith.constant dense<0.000000e+00> : vector<2000x256xf32>
    %dot_general3A_101 = tpu.matmul %get3A_4, %get3A_99, %dot_general3A_100 {dimension_numbers = #tpu.dot_dimension_numbers<[1], [0], [0], [1], [0, 0, 1, 1], [], []>, transpose_lhs_hint = false} : vector<2000x128xf32>, vector<128x256xf32>, vector<2000x256xf32> -> vector<2000x256xf32>
    %mul3A_102 = arith.mulf %dot_general3A_96, %dot_general3A_101 : vector<2000x256xf32>
    %get3A_103 = arith.constant 1280 : index
    %get3A_104 = arith.constant 0 : index
    %get3A_105 = vector.load %arg5[%get3A_103, %get3A_104] : memref<2048x128xf32, #tpu.memory_space<vmem>>, vector<256x128xf32>
    %dot_general3A_106 = arith.constant dense<0.000000e+00> : vector<2000x128xf32>
    %dot_general3A_107 = tpu.matmul %mul3A_102, %get3A_105, %dot_general3A_106 {dimension_numbers = #tpu.dot_dimension_numbers<[1], [0], [0], [1], [0, 0, 1, 1], [], []>, transpose_lhs_hint = false} : vector<2000x256xf32>, vector<256x128xf32>, vector<2000x128xf32> -> vector<2000x128xf32>
    %add3A_108 = arith.addf %add3A_91, %dot_general3A_107 : vector<2000x128xf32>
    %get3A_109 = arith.constant 0 : index
    %get3A_110 = arith.constant 1536 : index
    %get3A_111 = vector.load %arg3[%get3A_109, %get3A_110] : memref<128x2048xf32, #tpu.memory_space<vmem>>, vector<128x256xf32>
    %dot_general3A_112 = arith.constant dense<0.000000e+00> : vector<2000x256xf32>
    %dot_general3A_113 = tpu.matmul %get3A_1, %get3A_111, %dot_general3A_112 {dimension_numbers = #tpu.dot_dimension_numbers<[1], [0], [0], [1], [0, 0, 1, 1], [], []>, transpose_lhs_hint = false} : vector<2000x128xf32>, vector<128x256xf32>, vector<2000x256xf32> -> vector<2000x256xf32>
    %get3A_114 = arith.constant 0 : index
    %get3A_115 = arith.constant 1536 : index
    %get3A_116 = vector.load %arg4[%get3A_114, %get3A_115] : memref<128x2048xf32, #tpu.memory_space<vmem>>, vector<128x256xf32>
    %dot_general3A_117 = arith.constant dense<0.000000e+00> : vector<2000x256xf32>
    %dot_general3A_118 = tpu.matmul %get3A_4, %get3A_116, %dot_general3A_117 {dimension_numbers = #tpu.dot_dimension_numbers<[1], [0], [0], [1], [0, 0, 1, 1], [], []>, transpose_lhs_hint = false} : vector<2000x128xf32>, vector<128x256xf32>, vector<2000x256xf32> -> vector<2000x256xf32>
    %mul3A_119 = arith.mulf %dot_general3A_113, %dot_general3A_118 : vector<2000x256xf32>
    %get3A_120 = arith.constant 1536 : index
    %get3A_121 = arith.constant 0 : index
    %get3A_122 = vector.load %arg5[%get3A_120, %get3A_121] : memref<2048x128xf32, #tpu.memory_space<vmem>>, vector<256x128xf32>
    %dot_general3A_123 = arith.constant dense<0.000000e+00> : vector<2000x128xf32>
    %dot_general3A_124 = tpu.matmul %mul3A_119, %get3A_122, %dot_general3A_123 {dimension_numbers = #tpu.dot_dimension_numbers<[1], [0], [0], [1], [0, 0, 1, 1], [], []>, transpose_lhs_hint = false} : vector<2000x256xf32>, vector<256x128xf32>, vector<2000x128xf32> -> vector<2000x128xf32>
    %add3A_125 = arith.addf %add3A_108, %dot_general3A_124 : vector<2000x128xf32>
    %get3A_126 = arith.constant 0 : index
    %get3A_127 = arith.constant 1792 : index
    %get3A_128 = vector.load %arg3[%get3A_126, %get3A_127] : memref<128x2048xf32, #tpu.memory_space<vmem>>, vector<128x256xf32>
    %dot_general3A_129 = arith.constant dense<0.000000e+00> : vector<2000x256xf32>
    %dot_general3A_130 = tpu.matmul %get3A_1, %get3A_128, %dot_general3A_129 {dimension_numbers = #tpu.dot_dimension_numbers<[1], [0], [0], [1], [0, 0, 1, 1], [], []>, transpose_lhs_hint = false} : vector<2000x128xf32>, vector<128x256xf32>, vector<2000x256xf32> -> vector<2000x256xf32>
    %get3A_131 = arith.constant 0 : index
    %get3A_132 = arith.constant 1792 : index
    %get3A_133 = vector.load %arg4[%get3A_131, %get3A_132] : memref<128x2048xf32, #tpu.memory_space<vmem>>, vector<128x256xf32>
    %dot_general3A_134 = arith.constant dense<0.000000e+00> : vector<2000x256xf32>
    %dot_general3A_135 = tpu.matmul %get3A_4, %get3A_133, %dot_general3A_134 {dimension_numbers = #tpu.dot_dimension_numbers<[1], [0], [0], [1], [0, 0, 1, 1], [], []>, transpose_lhs_hint = false} : vector<2000x128xf32>, vector<128x256xf32>, vector<2000x256xf32> -> vector<2000x256xf32>
    %mul3A_136 = arith.mulf %dot_general3A_130, %dot_general3A_135 : vector<2000x256xf32>
    %get3A_137 = arith.constant 1792 : index
    %get3A_138 = arith.constant 0 : index
    %get3A_139 = vector.load %arg5[%get3A_137, %get3A_138] : memref<2048x128xf32, #tpu.memory_space<vmem>>, vector<256x128xf32>
    %dot_general3A_140 = arith.constant dense<0.000000e+00> : vector<2000x128xf32>
    %dot_general3A_141 = tpu.matmul %mul3A_136, %get3A_139, %dot_general3A_140 {dimension_numbers = #tpu.dot_dimension_numbers<[1], [0], [0], [1], [0, 0, 1, 1], [], []>, transpose_lhs_hint = false} : vector<2000x256xf32>, vector<256x128xf32>, vector<2000x128xf32> -> vector<2000x128xf32>
    %add3A_142 = arith.addf %add3A_125, %dot_general3A_141 : vector<2000x128xf32>
    %swap3A = arith.constant 0 : index
    %swap3A_143 = arith.constant 0 : index
    %swap3A_144 = vector.load %arg7[%swap3A, %swap3A_143] : memref<2000x128xf32, #tpu.memory_space<vmem>>, vector<2000x128xf32>
    tpu.vector_store %arg7[%swap3A, %swap3A_143], %add3A_142 {strides = array<i32>} : memref<2000x128xf32, #tpu.memory_space<vmem>>, vector<2000x128xf32>,
    return
  }
  func.func @transform_0(%arg0: i32) -> (i32, i32) {
    %add3A = arith.constant 0 : i32
    %add3A_0 = arith.addi %arg0, %add3A : i32
    %c0_i32 = arith.constant 0 : i32
    %c0_i32_1 = arith.constant 0 : i32
    return %add3A_0, %c0_i32 : i32, i32
  }
  func.func @transform_1(%arg0: i32) -> (i32, i32) {
    %add3A = arith.constant 0 : i32
    %add3A_0 = arith.addi %arg0, %add3A : i32
    %c0_i32 = arith.constant 0 : i32
    %c0_i32_1 = arith.constant 0 : i32
    return %add3A_0, %c0_i32 : i32, i32
  }
  func.func @transform_2(%arg0: i32) -> (i32, i32) {
    %c0_i32 = arith.constant 0 : i32
    %c0_i32_0 = arith.constant 0 : i32
    %c0_i32_1 = arith.constant 0 : i32
    return %c0_i32, %c0_i32_0 : i32, i32
  }
  func.func @transform_3(%arg0: i32) -> (i32, i32) {
    %c0_i32 = arith.constant 0 : i32
    %c0_i32_0 = arith.constant 0 : i32
    %c0_i32_1 = arith.constant 0 : i32
    return %c0_i32, %c0_i32_0 : i32, i32
  }
  func.func @transform_4(%arg0: i32) -> (i32, i32) {
    %c0_i32 = arith.constant 0 : i32
    %c0_i32_0 = arith.constant 0 : i32
    %c0_i32_1 = arith.constant 0 : i32
    return %c0_i32, %c0_i32_0 : i32, i32
  }
  func.func @transform_5(%arg0: i32) -> (i32, i32) {
    %c0_i32 = arith.constant 0 : i32
    %c0_i32_0 = arith.constant 0 : i32
    %c0_i32_1 = arith.constant 0 : i32
    return %c0_i32, %c0_i32_0 : i32, i32
  }
  func.func @transform_6(%arg0: i32) -> (i32, i32) {
    %c0_i32 = arith.constant 0 : i32
    %c0_i32_0 = arith.constant 0 : i32
    return %arg0, %c0_i32 : i32, i32
  }
}

module attributes {stable_mosaic.version = 14 : i64} {
  func.func @body(%arg0: i32, %arg1: memref<2000x128xf32, #tpu.memory_space<vmem>>, %arg2: memref<2000x128xf32, #tpu.memory_space<vmem>>, %arg3: memref<128x2048xf32, #tpu.memory_space<vmem>>, %arg4: memref<128x2048xf32, #tpu.memory_space<vmem>>, %arg5: memref<2048x128xf32, #tpu.memory_space<vmem>>, %arg6: memref<128x128xf32, #tpu.memory_space<vmem>>, %arg7: memref<2000x128xf32, #tpu.memory_space<vmem>>) attributes {dimension_semantics = [#tpu.dimension_semantics<arbitrary>], iteration_bounds = array<i64: 26>, scalar_prefetch = 0 : i64, scratch_operands = 0 : i64, tpu.core_type = #tpu.core_type<tc>, window_params = [{transform_indices = @transform_0, window_bounds = array<i64: 2000, 128>}, {transform_indices = @transform_1, window_bounds = array<i64: 2000, 128>}, {pipeline_mode = #tpu.pipeline_mode<synchronous>, transform_indices = @transform_2, window_bounds = array<i64: 128, 2048>}, {pipeline_mode = #tpu.pipeline_mode<synchronous>, transform_indices = @transform_3, window_bounds = array<i64: 128, 2048>}, {pipeline_mode = #tpu.pipeline_mode<synchronous>, transform_indices = @transform_4, window_bounds = array<i64: 2048, 128>}, {pipeline_mode = #tpu.pipeline_mode<synchronous>, transform_indices = @transform_5, window_bounds = array<i64: 128, 128>}, {transform_indices = @transform_6, window_bounds = array<i64: 2000, 128>}]} {
    %get3A = arith.constant 0 : index
    %get3A_0 = arith.constant 0 : index
    %get3A_1 = vector.load %arg1[%get3A, %get3A_0] : memref<2000x128xf32, #tpu.memory_space<vmem>>, vector<2000x128xf32>
    %get3A_2 = arith.constant 0 : index
    %get3A_3 = arith.constant 0 : index
    %get3A_4 = vector.load %arg2[%get3A_2, %get3A_3] : memref<2000x128xf32, #tpu.memory_space<vmem>>, vector<2000x128xf32>
    %get3A_5 = arith.constant 0 : index
    %get3A_6 = arith.constant 0 : index
    %get3A_7 = vector.load %arg6[%get3A_5, %get3A_6] : memref<128x128xf32, #tpu.memory_space<vmem>>, vector<128x128xf32>
    %dot_general3A = arith.constant dense<0.000000e+00> : vector<2000x128xf32>
    %dot_general3A_8 = tpu.matmul %get3A_4, %get3A_7, %dot_general3A {dimension_numbers = #tpu.dot_dimension_numbers<[1], [0], [0], [1], [0, 0, 1, 1], [], []>, transpose_lhs_hint = false} : vector<2000x128xf32>, vector<128x128xf32>, vector<2000x128xf32> -> vector<2000x128xf32>
    %get3A_9 = arith.constant 0 : index
    %get3A_10 = arith.constant 0 : index
    %get3A_11 = vector.load %arg3[%get3A_9, %get3A_10] : memref<128x2048xf32, #tpu.memory_space<vmem>>, vector<128x256xf32>
    %dot_general3A_12 = arith.constant dense<0.000000e+00> : vector<2000x256xf32>
    %dot_general3A_13 = tpu.matmul %get3A_1, %get3A_11, %dot_general3A_12 {dimension_numbers = #tpu.dot_dimension_numbers<[1], [0], [0], [1], [0, 0, 1, 1], [], []>, transpose_lhs_hint = false} : vector<2000x128xf32>, vector<128x256xf32>, vector<2000x256xf32> -> vector<2000x256xf32>
    %get3A_14 = arith.constant 0 : index
    %get3A_15 = arith.constant 0 : index
    %get3A_16 = vector.load %arg4[%get3A_14, %get3A_15] : memref<128x2048xf32, #tpu.memory_space<vmem>>, vector<128x256xf32>
    %dot_general3A_17 = arith.constant dense<0.000000e+00> : vector<2000x256xf32>
    %dot_general3A_18 = tpu.matmul %get3A_4, %get3A_16, %dot_general3A_17 {dimension_numbers = #tpu.dot_dimension_numbers<[1], [0], [0], [1], [0, 0, 1, 1], [], []>, transpose_lhs_hint = false} : vector<2000x128xf32>, vector<128x256xf32>, vector<2000x256xf32> -> vector<2000x256xf32>
    %mul3A = arith.mulf %dot_general3A_13, %dot_general3A_18 : vector<2000x256xf32>
    %get3A_19 = arith.constant 0 : index
    %get3A_20 = arith.constant 0 : index
    %get3A_21 = vector.load %arg5[%get3A_19, %get3A_20] : memref<2048x128xf32, #tpu.memory_space<vmem>>, vector<256x128xf32>
    %dot_general3A_22 = arith.constant dense<0.000000e+00> : vector<2000x128xf32>
    %dot_general3A_23 = tpu.matmul %mul3A, %get3A_21, %dot_general3A_22 {dimension_numbers = #tpu.dot_dimension_numbers<[1], [0], [0], [1], [0, 0, 1, 1], [], []>, transpose_lhs_hint = false} : vector<2000x256xf32>, vector<256x128xf32>, vector<2000x128xf32> -> vector<2000x128xf32>
    %add3A = arith.addf %dot_general3A_8, %dot_general3A_23 : vector<2000x128xf32>
    %get3A_24 = arith.constant 0 : index
    %get3A_25 = arith.constant 256 : index
    %get3A_26 = vector.load %arg3[%get3A_24, %get3A_25] : memref<128x2048xf32, #tpu.memory_space<vmem>>, vector<128x256xf32>
    %dot_general3A_27 = arith.constant dense<0.000000e+00> : vector<2000x256xf32>
    %dot_general3A_28 = tpu.matmul %get3A_1, %get3A_26, %dot_general3A_27 {dimension_numbers = #tpu.dot_dimension_numbers<[1], [0], [0], [1], [0, 0, 1, 1], [], []>, transpose_lhs_hint = false} : vector<2000x128xf32>, vector<128x256xf32>, vector<2000x256xf32> -> vector<2000x256xf32>
    %get3A_29 = arith.constant 0 : index
    %get3A_30 = arith.constant 256 : index
    %get3A_31 = vector.load %arg4[%get3A_29, %get3A_30] : memref<128x2048xf32, #tpu.memory_space<vmem>>, vector<128x256xf32>
    %dot_general3A_32 = arith.constant dense<0.000000e+00> : vector<2000x256xf32>
    %dot_general3A_33 = tpu.matmul %get3A_4, %get3A_31, %dot_general3A_32 {dimension_numbers = #tpu.dot_dimension_numbers<[1], [0], [0], [1], [0, 0, 1, 1], [], []>, transpose_lhs_hint = false} : vector<2000x128xf32>, vector<128x256xf32>, vector<2000x256xf32> -> vector<2000x256xf32>
    %mul3A_34 = arith.mulf %dot_general3A_28, %dot_general3A_33 : vector<2000x256xf32>
    %get3A_35 = arith.constant 256 : index
    %get3A_36 = arith.constant 0 : index
    %get3A_37 = vector.load %arg5[%get3A_35, %get3A_36] : memref<2048x128xf32, #tpu.memory_space<vmem>>, vector<256x128xf32>
    %dot_general3A_38 = arith.constant dense<0.000000e+00> : vector<2000x128xf32>
    %dot_general3A_39 = tpu.matmul %mul3A_34, %get3A_37, %dot_general3A_38 {dimension_numbers = #tpu.dot_dimension_numbers<[1], [0], [0], [1], [0, 0, 1, 1], [], []>, transpose_lhs_hint = false} : vector<2000x256xf32>, vector<256x128xf32>, vector<2000x128xf32> -> vector<2000x128xf32>
    %add3A_40 = arith.addf %add3A, %dot_general3A_39 : vector<2000x128xf32>
    %get3A_41 = arith.constant 0 : index
    %get3A_42 = arith.constant 512 : index
    %get3A_43 = vector.load %arg3[%get3A_41, %get3A_42] : memref<128x2048xf32, #tpu.memory_space<vmem>>, vector<128x256xf32>
    %dot_general3A_44 = arith.constant dense<0.000000e+00> : vector<2000x256xf32>
    %dot_general3A_45 = tpu.matmul %get3A_1, %get3A_43, %dot_general3A_44 {dimension_numbers = #tpu.dot_dimension_numbers<[1], [0], [0], [1], [0, 0, 1, 1], [], []>, transpose_lhs_hint = false} : vector<2000x128xf32>, vector<128x256xf32>, vector<2000x256xf32> -> vector<2000x256xf32>
    %get3A_46 = arith.constant 0 : index
    %get3A_47 = arith.constant 512 : index
    %get3A_48 = vector.load %arg4[%get3A_46, %get3A_47] : memref<128x2048xf32, #tpu.memory_space<vmem>>, vector<128x256xf32>
    %dot_general3A_49 = arith.constant dense<0.000000e+00> : vector<2000x256xf32>
    %dot_general3A_50 = tpu.matmul %get3A_4, %get3A_48, %dot_general3A_49 {dimension_numbers = #tpu.dot_dimension_numbers<[1], [0], [0], [1], [0, 0, 1, 1], [], []>, transpose_lhs_hint = false} : vector<2000x128xf32>, vector<128x256xf32>, vector<2000x256xf32> -> vector<2000x256xf32>
    %mul3A_51 = arith.mulf %dot_general3A_45, %dot_general3A_50 : vector<2000x256xf32>
    %get3A_52 = arith.constant 512 : index
    %get3A_53 = arith.constant 0 : index
    %get3A_54 = vector.load %arg5[%get3A_52, %get3A_53] : memref<2048x128xf32, #tpu.memory_space<vmem>>, vector<256x128xf32>
    %dot_general3A_55 = arith.constant dense<0.000000e+00> : vector<2000x128xf32>
    %dot_general3A_56 = tpu.matmul %mul3A_51, %get3A_54, %dot_general3A_55 {dimension_numbers = #tpu.dot_dimension_numbers<[1], [0], [0], [1], [0, 0, 1, 1], [], []>, transpose_lhs_hint = false} : vector<2000x256xf32>, vector<256x128xf32>, vector<2000x128xf32> -> vector<2000x128xf32>
    %add3A_57 = arith.addf %add3A_40, %dot_general3A_56 : vector<2000x128xf32>
    %get3A_58 = arith.constant 0 : index
    %get3A_59 = arith.constant 768 : index
    %get3A_60 = vector.load %arg3[%get3A_58, %get3A_59] : memref<128x2048xf32, #tpu.memory_space<vmem>>, vector<128x256xf32>
    %dot_general3A_61 = arith.constant dense<0.000000e+00> : vector<2000x256xf32>
    %dot_general3A_62 = tpu.matmul %get3A_1, %get3A_60, %dot_general3A_61 {dimension_numbers = #tpu.dot_dimension_numbers<[1], [0], [0], [1], [0, 0, 1, 1], [], []>, transpose_lhs_hint = false} : vector<2000x128xf32>, vector<128x256xf32>, vector<2000x256xf32> -> vector<2000x256xf32>
    %get3A_63 = arith.constant 0 : index
    %get3A_64 = arith.constant 768 : index
    %get3A_65 = vector.load %arg4[%get3A_63, %get3A_64] : memref<128x2048xf32, #tpu.memory_space<vmem>>, vector<128x256xf32>
    %dot_general3A_66 = arith.constant dense<0.000000e+00> : vector<2000x256xf32>
    %dot_general3A_67 = tpu.matmul %get3A_4, %get3A_65, %dot_general3A_66 {dimension_numbers = #tpu.dot_dimension_numbers<[1], [0], [0], [1], [0, 0, 1, 1], [], []>, transpose_lhs_hint = false} : vector<2000x128xf32>, vector<128x256xf32>, vector<2000x256xf32> -> vector<2000x256xf32>
    %mul3A_68 = arith.mulf %dot_general3A_62, %dot_general3A_67 : vector<2000x256xf32>
    %get3A_69 = arith.constant 768 : index
    %get3A_70 = arith.constant 0 : index
    %get3A_71 = vector.load %arg5[%get3A_69, %get3A_70] : memref<2048x128xf32, #tpu.memory_space<vmem>>, vector<256x128xf32>
    %dot_general3A_72 = arith.constant dense<0.000000e+00> : vector<2000x128xf32>
    %dot_general3A_73 = tpu.matmul %mul3A_68, %get3A_71, %dot_general3A_72 {dimension_numbers = #tpu.dot_dimension_numbers<[1], [0], [0], [1], [0, 0, 1, 1], [], []>, transpose_lhs_hint = false} : vector<2000x256xf32>, vector<256x128xf32>, vector<2000x128xf32> -> vector<2000x128xf32>
    %add3A_74 = arith.addf %add3A_57, %dot_general3A_73 : vector<2000x128xf32>
    %get3A_75 = arith.constant 0 : index
    %get3A_76 = arith.constant 1024 : index
    %get3A_77 = vector.load %arg3[%get3A_75, %get3A_76] : memref<128x2048xf32, #tpu.memory_space<vmem>>, vector<128x256xf32>
    %dot_general3A_78 = arith.constant dense<0.000000e+00> : vector<2000x256xf32>
    %dot_general3A_79 = tpu.matmul %get3A_1, %get3A_77, %dot_general3A_78 {dimension_numbers = #tpu.dot_dimension_numbers<[1], [0], [0], [1], [0, 0, 1, 1], [], []>, transpose_lhs_hint = false} : vector<2000x128xf32>, vector<128x256xf32>, vector<2000x256xf32> -> vector<2000x256xf32>
    %get3A_80 = arith.constant 0 : index
    %get3A_81 = arith.constant 1024 : index
    %get3A_82 = vector.load %arg4[%get3A_80, %get3A_81] : memref<128x2048xf32, #tpu.memory_space<vmem>>, vector<128x256xf32>
    %dot_general3A_83 = arith.constant dense<0.000000e+00> : vector<2000x256xf32>
    %dot_general3A_84 = tpu.matmul %get3A_4, %get3A_82, %dot_general3A_83 {dimension_numbers = #tpu.dot_dimension_numbers<[1], [0], [0], [1], [0, 0, 1, 1], [], []>, transpose_lhs_hint = false} : vector<2000x128xf32>, vector<128x256xf32>, vector<2000x256xf32> -> vector<2000x256xf32>
    %mul3A_85 = arith.mulf %dot_general3A_79, %dot_general3A_84 : vector<2000x256xf32>
    %get3A_86 = arith.constant 1024 : index
    %get3A_87 = arith.constant 0 : index
    %get3A_88 = vector.load %arg5[%get3A_86, %get3A_87] : memref<2048x128xf32, #tpu.memory_space<vmem>>, vector<256x128xf32>
    %dot_general3A_89 = arith.constant dense<0.000000e+00> : vector<2000x128xf32>
    %dot_general3A_90 = tpu.matmul %mul3A_85, %get3A_88, %dot_general3A_89 {dimension_numbers = #tpu.dot_dimension_numbers<[1], [0], [0], [1], [0, 0, 1, 1], [], []>, transpose_lhs_hint = false} : vector<2000x256xf32>, vector<256x128xf32>, vector<2000x128xf32> -> vector<2000x128xf32>
    %add3A_91 = arith.addf %add3A_74, %dot_general3A_90 : vector<2000x128xf32>
    %get3A_92 = arith.constant 0 : index
    %get3A_93 = arith.constant 1280 : index
    %get3A_94 = vector.load %arg3[%get3A_92, %get3A_93] : memref<128x2048xf32, #tpu.memory_space<vmem>>, vector<128x256xf32>
    %dot_general3A_95 = arith.constant dense<0.000000e+00> : vector<2000x256xf32>
    %dot_general3A_96 = tpu.matmul %get3A_1, %get3A_94, %dot_general3A_95 {dimension_numbers = #tpu.dot_dimension_numbers<[1], [0], [0], [1], [0, 0, 1, 1], [], []>, transpose_lhs_hint = false} : vector<2000x128xf32>, vector<128x256xf32>, vector<2000x256xf32> -> vector<2000x256xf32>
    %get3A_97 = arith.constant 0 : index
    %get3A_98 = arith.constant 1280 : index
    %get3A_99 = vector.load %arg4[%get3A_97, %get3A_98] : memref<128x2048xf32, #tpu.memory_space<vmem>>, vector<128x256xf32>
    %dot_general3A_100 = arith.constant dense<0.000000e+00> : vector<2000x256xf32>
    %dot_general3A_101 = tpu.matmul %get3A_4, %get3A_99, %dot_general3A_100 {dimension_numbers = #tpu.dot_dimension_numbers<[1], [0], [0], [1], [0, 0, 1, 1], [], []>, transpose_lhs_hint = false} : vector<2000x128xf32>, vector<128x256xf32>, vector<2000x256xf32> -> vector<2000x256xf32>
    %mul3A_102 = arith.mulf %dot_general3A_96, %dot_general3A_101 : vector<2000x256xf32>
    %get3A_103 = arith.constant 1280 : index
    %get3A_104 = arith.constant 0 : index
    %get3A_105 = vector.load %arg5[%get3A_103, %get3A_104] : memref<2048x128xf32, #tpu.memory_space<vmem>>, vector<256x128xf32>
    %dot_general3A_106 = arith.constant dense<0.000000e+00> : vector<2000x128xf32>
    %dot_general3A_107 = tpu.matmul %mul3A_102, %get3A_105, %dot_general3A_106 {dimension_numbers = #tpu.dot_dimension_numbers<[1], [0], [0], [1], [0, 0, 1, 1], [], []>, transpose_lhs_hint = false} : vector<2000x256xf32>, vector<256x128xf32>, vector<2000x128xf32> -> vector<2000x128xf32>
    %add3A_108 = arith.addf %add3A_91, %dot_general3A_107 : vector<2000x128xf32>
    %get3A_109 = arith.constant 0 : index
    %get3A_110 = arith.constant 1536 : index
    %get3A_111 = vector.load %arg3[%get3A_109, %get3A_110] : memref<128x2048xf32, #tpu.memory_space<vmem>>, vector<128x256xf32>
    %dot_general3A_112 = arith.constant dense<0.000000e+00> : vector<2000x256xf32>
    %dot_general3A_113 = tpu.matmul %get3A_1, %get3A_111, %dot_general3A_112 {dimension_numbers = #tpu.dot_dimension_numbers<[1], [0], [0], [1], [0, 0, 1, 1], [], []>, transpose_lhs_hint = false} : vector<2000x128xf32>, vector<128x256xf32>, vector<2000x256xf32> -> vector<2000x256xf32>
    %get3A_114 = arith.constant 0 : index
    %get3A_115 = arith.constant 1536 : index
    %get3A_116 = vector.load %arg4[%get3A_114, %get3A_115] : memref<128x2048xf32, #tpu.memory_space<vmem>>, vector<128x256xf32>
    %dot_general3A_117 = arith.constant dense<0.000000e+00> : vector<2000x256xf32>
    %dot_general3A_118 = tpu.matmul %get3A_4, %get3A_116, %dot_general3A_117 {dimension_numbers = #tpu.dot_dimension_numbers<[1], [0], [0], [1], [0, 0, 1, 1], [], []>, transpose_lhs_hint = false} : vector<2000x128xf32>, vector<128x256xf32>, vector<2000x256xf32> -> vector<2000x256xf32>
    %mul3A_119 = arith.mulf %dot_general3A_113, %dot_general3A_118 : vector<2000x256xf32>
    %get3A_120 = arith.constant 1536 : index
    %get3A_121 = arith.constant 0 : index
    %get3A_122 = vector.load %arg5[%get3A_120, %get3A_121] : memref<2048x128xf32, #tpu.memory_space<vmem>>, vector<256x128xf32>
    %dot_general3A_123 = arith.constant dense<0.000000e+00> : vector<2000x128xf32>
    %dot_general3A_124 = tpu.matmul %mul3A_119, %get3A_122, %dot_general3A_123 {dimension_numbers = #tpu.dot_dimension_numbers<[1], [0], [0], [1], [0, 0, 1, 1], [], []>, transpose_lhs_hint = false} : vector<2000x256xf32>, vector<256x128xf32>, vector<2000x128xf32> -> vector<2000x128xf32>
    %add3A_125 = arith.addf %add3A_108, %dot_general3A_124 : vector<2000x128xf32>
    %get3A_126 = arith.constant 0 : index
    %get3A_127 = arith.constant 1792 : index
    %get3A_128 = vector.load %arg3[%get3A_126, %get3A_127] : memref<128x2048xf32, #tpu.memory_space<vmem>>, vector<128x256xf32>
    %dot_general3A_129 = arith.constant dense<0.000000e+00> : vector<2000x256xf32>
    %dot_general3A_130 = tpu.matmul %get3A_1, %get3A_128, %dot_general3A_129 {dimension_numbers = #tpu.dot_dimension_numbers<[1], [0], [0], [1], [0, 0, 1, 1], [], []>, transpose_lhs_hint = false} : vector<2000x128xf32>, vector<128x256xf32>, vector<2000x256xf32> -> vector<2000x256xf32>
    %get3A_131 = arith.constant 0 : index
    %get3A_132 = arith.constant 1792 : index
    %get3A_133 = vector.load %arg4[%get3A_131, %get3A_132] : memref<128x2048xf32, #tpu.memory_space<vmem>>, vector<128x256xf32>
    %dot_general3A_134 = arith.constant dense<0.000000e+00> : vector<2000x256xf32>
    %dot_general3A_135 = tpu.matmul %get3A_4, %get3A_133, %dot_general3A_134 {dimension_numbers = #tpu.dot_dimension_numbers<[1], [0], [0], [1], [0, 0, 1, 1], [], []>, transpose_lhs_hint = false} : vector<2000x128xf32>, vector<128x256xf32>, vector<2000x256xf32> -> vector<2000x256xf32>
    %mul3A_136 = arith.mulf %dot_general3A_130, %dot_general3A_135 : vector<2000x256xf32>
    %get3A_137 = arith.constant 1792 : index
    %get3A_138 = arith.constant 0 : index
    %get3A_139 = vector.load %arg5[%get3A_137, %get3A_138] : memref<2048x128xf32, #tpu.memory_space<vmem>>, vector<256x128xf32>
    %dot_general3A_140 = arith.constant dense<0.000000e+00> : vector<2000x128xf32>
    %dot_general3A_141 = tpu.matmul %mul3A_136, %get3A_139, %dot_general3A_140 {dimension_numbers = #tpu.dot_dimension_numbers<[1], [0], [0], [1], [0, 0, 1, 1], [], []>, transpose_lhs_hint = false} : vector<2000x256xf32>, vector<256x128xf32>, vector<2000x128xf32> -> vector<2000x128xf32>
    %add3A_142 = arith.addf %add3A_125, %dot_general3A_141 : vector<2000x128xf32>
    %swap3A = arith.constant 0 : index
    %swap3A_143 = arith.constant 0 : index
    %swap3A_144 = vector.load %arg7[%swap3A, %swap3A_143] : memref<2000x128xf32, #tpu.memory_space<vmem>>, vector<2000x128xf32>
    tpu.vector_store %arg7[%swap3A, %swap3A_143], %add3A_142 {strides = array<i32>} : memref<2000x128xf32, #tpu.memory_space<vmem>>, vector<2000x128xf32>,
    return
  }
  func.func @transform_0(%arg0: i32) -> (i32, i32) {
    %add3A = arith.constant 24 : i32
    %add3A_0 = arith.addi %arg0, %add3A : i32
    %c0_i32 = arith.constant 0 : i32
    %c0_i32_1 = arith.constant 0 : i32
    return %add3A_0, %c0_i32 : i32, i32
  }
  func.func @transform_1(%arg0: i32) -> (i32, i32) {
    %add3A = arith.constant 24 : i32
    %add3A_0 = arith.addi %arg0, %add3A : i32
    %c0_i32 = arith.constant 0 : i32
    %c0_i32_1 = arith.constant 0 : i32
    return %add3A_0, %c0_i32 : i32, i32
  }
  func.func @transform_2(%arg0: i32) -> (i32, i32) {
    %c0_i32 = arith.constant 0 : i32
    %c0_i32_0 = arith.constant 0 : i32
    %c0_i32_1 = arith.constant 0 : i32
    return %c0_i32, %c0_i32_0 : i32, i32
  }
  func.func @transform_3(%arg0: i32) -> (i32, i32) {
    %c0_i32 = arith.constant 0 : i32
    %c0_i32_0 = arith.constant 0 : i32
    %c0_i32_1 = arith.constant 0 : i32
    return %c0_i32, %c0_i32_0 : i32, i32
  }
  func.func @transform_4(%arg0: i32) -> (i32, i32) {
    %c0_i32 = arith.constant 0 : i32
    %c0_i32_0 = arith.constant 0 : i32
    %c0_i32_1 = arith.constant 0 : i32
    return %c0_i32, %c0_i32_0 : i32, i32
  }
  func.func @transform_5(%arg0: i32) -> (i32, i32) {
    %c0_i32 = arith.constant 0 : i32
    %c0_i32_0 = arith.constant 0 : i32
    %c0_i32_1 = arith.constant 0 : i32
    return %c0_i32, %c0_i32_0 : i32, i32
  }
  func.func @transform_6(%arg0: i32) -> (i32, i32) {
    %c0_i32 = arith.constant 0 : i32
    %c0_i32_0 = arith.constant 0 : i32
    return %arg0, %c0_i32 : i32, i32
  }
}

module attributes {stable_mosaic.version = 14 : i64} {
  func.func @body(%arg0: i32, %arg1: memref<1x6250x128xf32, #tpu.memory_space<vmem>>, %arg2: memref<1x6250x128xf32, #tpu.memory_space<vmem>>, %arg3: memref<1x6250x128xf32, #tpu.memory_space<vmem>>, %arg4: memref<1x6250x128xf32, #tpu.memory_space<vmem>>, %arg5: memref<6250x128xf32, #tpu.memory_space<vmem>>) attributes {dimension_semantics = [#tpu.dimension_semantics<arbitrary>], iteration_bounds = array<i64: 1>, scalar_prefetch = 0 : i64, scratch_operands = 0 : i64, tpu.core_type = #tpu.core_type<tc>, window_params = [{transform_indices = @transform_0, window_bounds = array<i64: 1, 6250, 128>}, {transform_indices = @transform_1, window_bounds = array<i64: 1, 6250, 128>}, {transform_indices = @transform_2, window_bounds = array<i64: 1, 6250, 128>}, {transform_indices = @transform_3, window_bounds = array<i64: 1, 6250, 128>}, {pipeline_mode = #tpu.pipeline_mode<synchronous>, transform_indices = @transform_4, window_bounds = array<i64: 6250, 128>}]} {
    %get3A = arith.constant 0 : index
    %get3A_0 = arith.constant 0 : index
    %get3A_1 = arith.constant 0 : index
    %get3A_2 = vector.load %arg1[%get3A, %get3A_0, %get3A_1] : memref<1x6250x128xf32, #tpu.memory_space<vmem>>, vector<1x6250x128xf32>
    %get3A_3 = vector.shape_cast %get3A_2 : vector<1x6250x128xf32> to vector<6250x128xf32>
    %get3A_4 = arith.constant 0 : index
    %get3A_5 = arith.constant 0 : index
    %get3A_6 = arith.constant 0 : index
    %get3A_7 = vector.load %arg2[%get3A_4, %get3A_5, %get3A_6] : memref<1x6250x128xf32, #tpu.memory_space<vmem>>, vector<1x6250x128xf32>
    %get3A_8 = vector.shape_cast %get3A_7 : vector<1x6250x128xf32> to vector<6250x128xf32>
    %add3A = arith.addf %get3A_3, %get3A_8 : vector<6250x128xf32>
    %get3A_9 = arith.constant 0 : index
    %get3A_10 = arith.constant 0 : index
    %get3A_11 = arith.constant 0 : index
    %get3A_12 = vector.load %arg3[%get3A_9, %get3A_10, %get3A_11] : memref<1x6250x128xf32, #tpu.memory_space<vmem>>, vector<1x6250x128xf32>
    %get3A_13 = vector.shape_cast %get3A_12 : vector<1x6250x128xf32> to vector<6250x128xf32>
    %get3A_14 = arith.constant 0 : index
    %get3A_15 = arith.constant 0 : index
    %get3A_16 = arith.constant 0 : index
    %get3A_17 = vector.load %arg4[%get3A_14, %get3A_15, %get3A_16] : memref<1x6250x128xf32, #tpu.memory_space<vmem>>, vector<1x6250x128xf32>
    %get3A_18 = vector.shape_cast %get3A_17 : vector<1x6250x128xf32> to vector<6250x128xf32>
    %add3A_19 = arith.addf %get3A_13, %get3A_18 : vector<6250x128xf32>
    %add3A_20 = arith.addf %add3A, %add3A_19 : vector<6250x128xf32>
    %swap3A = arith.constant 0 : index
    %swap3A_21 = arith.constant 0 : index
    %swap3A_22 = vector.load %arg5[%swap3A, %swap3A_21] : memref<6250x128xf32, #tpu.memory_space<vmem>>, vector<6250x128xf32>
    tpu.vector_store %arg5[%swap3A, %swap3A_21], %add3A_20 {strides = array<i32>} : memref<6250x128xf32, #tpu.memory_space<vmem>>, vector<6250x128xf32>,
    return
  }
  func.func @transform_0(%arg0: i32) -> (i32, i32, i32) {
    %c0_i32 = arith.constant 0 : i32
    %c0_i32_0 = arith.constant 0 : i32
    %c0_i32_1 = arith.constant 0 : i32
    %c0_i32_2 = arith.constant 0 : i32
    return %c0_i32, %c0_i32_0, %c0_i32_1 : i32, i32, i32
  }
  func.func @transform_1(%arg0: i32) -> (i32, i32, i32) {
    %c1_i32 = arith.constant 1 : i32
    %c0_i32 = arith.constant 0 : i32
    %c0_i32_0 = arith.constant 0 : i32
    %c0_i32_1 = arith.constant 0 : i32
    return %c1_i32, %c0_i32, %c0_i32_0 : i32, i32, i32
  }
  func.func @transform_2(%arg0: i32) -> (i32, i32, i32) {
    %c0_i32 = arith.constant 0 : i32
    %c0_i32_0 = arith.constant 0 : i32
    %c0_i32_1 = arith.constant 0 : i32
    %c0_i32_2 = arith.constant 0 : i32
    return %c0_i32, %c0_i32_0, %c0_i32_1 : i32, i32, i32
  }
  func.func @transform_3(%arg0: i32) -> (i32, i32, i32) {
    %c1_i32 = arith.constant 1 : i32
    %c0_i32 = arith.constant 0 : i32
    %c0_i32_0 = arith.constant 0 : i32
    %c0_i32_1 = arith.constant 0 : i32
    return %c1_i32, %c0_i32, %c0_i32_0 : i32, i32, i32
  }
  func.func @transform_4(%arg0: i32) -> (i32, i32) {
    %c0_i32 = arith.constant 0 : i32
    %c0_i32_0 = arith.constant 0 : i32
    %c0_i32_1 = arith.constant 0 : i32
    return %c0_i32, %c0_i32_0 : i32, i32
  }
}

</mosaic_0001>

<sc_bundles>
// kernel: kernel.11.cloned.1.call-start
scs
__scs_entry_jumppad:
0x0: {  	(pc) =	sbr.rel $0x88, $3  }
0x1: {  	(tag) =	ssettag $0x0;
	lr =	simm.s32 $0x1  }
0x2: {  	[smem:$0x3F9B] =	sst lr;
	_ =	strace $0xD0000000  }
0x3: {  	_ = 	snop  }
0x4: {  	_ = 	snop  }
0x5: {  	_ = 	snop  }
0x6: {  	_ = 	snop  }
0x7: {  	_ = 	snop  }
__scs_overlays_trampoline_lowered:
0x8: {  	[smem:$0x3FAA] =	sst s0  }
0x9: {  	[smem:$0x3FAB] =	sst s1  }
0xa: {  	[smem:$0x3FAC] =	sst s2  }
0xb: {  	[smem:$0x3FAD] =	sst s3  }
0xc: {  	[smem:$0x3FAE] =	sst s4  }
0xd: {  	[smem:$0x3FAF] =	sst s5  }
0xe: {  	[smem:$0x3FB0] =	sst s6  }
0xf: {  	[smem:$0x3FB1] =	sst s7  }
0x10: {  	[smem:$0x3FB2] =	sst s8  }
0x11: {  	[smem:$0x3FB3] =	sst s9;
	s0 =	simm.s32 @!p0 $0x0  }
0x12: {  	s1 =	sld [smem:$0x3F99];
	s0 =	simm.s32 @p0 $0x1  }
0x13: {  	[smem:$0x3FB4] =	sst s0;
	s0 =	simm.s32 @!p1 $0x0  }
0x14: {  	s2 =	sld [smem:$0x3F98];
	s0 =	simm.s32 @p1 $0x1  }
0x15: {  	[smem:$0x3FB5] =	sst s0;
	s0 =	simm.s32 @!p2 $0x0  }
0x16: {  	s3 =	sld [smem:$0x3FDB];
	s0 =	simm.s32 @p2 $0x1  }
0x17: {  	s4 =	simm.s32 $0x1BF5;
	[smem:$0x3FB7] =	sst s0  }
0x18: {  	s0 =	sld [smem:$0x3F9A];
	_ =	swait.ge [sflag:s4], $0x0  }
0x19: {  	s7 =	sld [smem:$0x3F9B]  }
0x1a: {  	s8 =	sadd.s32 $0xFFFFE003, lr  }
0x1b: {  	s9 =	sadd.s32 $0xFFFFFEF7, lr;
	s5 =	simm.s32 $0xFFFFFFFF;
	p2 =	slt.u32 s8, $0xFFFFF086  }
0x1c: {  	p1 =	slt.u32 s9, $0xF7A;
	s5 =	simm.s32 @!p2 $0x0  }
0x1d: {  	s5 =	simm.s32 @p1 $0x1;
	p0 =	seq.s32 s7, s2  }
0x1e: {  	s7 =	smul.u32 @!p0 $0xF7A, s2;
	p2 =	seq.s32 @!p0 s5, $0x0  }
0x1f: {  	s9 =	smul.u32 $0xF7A, s1;
	s8 =	simm.s32 @!p0 $0x1BF5;
	p2 =	por !p2, p0  }
0x20: {  	[sflag:s8] =	ssyncset.s32 @!p0 $0xFFFFF086;
	s6 =	sadd.s32 @!p0 s3, s7;
	s7 =	simm.s32 @!p0 $0x108  }
0x21: {  	s3 =	sadd.s32 s3, s9;
	s6 =	sadd.s32 @!p0 $0x88, s6;
	s7 =	simm.s32 @p2 $0x1082  }
0x22: {  	[simem:s7], [sflag:s8] =	dma.local @!p0 [hbm:s6], $0xF7A  }
0x23: {  	s9 =	sor.u32 $0xD0000000, s2;
	s6 =	simm.s32 $0x108;
	_ =	swait.ge @!p0 [sflag:s8], $0x0  }
0x24: {  	s3 =	sadd.s32 $0x88, s3;
	s6 =	simm.s32 @!p1 $0x1082;
	[sflag:s4] =	ssyncset.s32 $0xFFFFF086  }
0x25: {  	[simem:s6], [sflag:s4] =	dma.local [hbm:s3], $0xF7A  }
0x26: {  	[smem:$0x3F9B] =	sst s1;
	(tag) =	ssettag s2;
	_ =	strace s9  }
0x27: {  	s1 =	sld [smem:$0x3FAB]  }
0x28: {  	s2 =	sld [smem:$0x3FAC]  }
0x29: {  	s4 =	sld [smem:$0x3FAE]  }
0x2a: {  	p0 =	seq.s32 s5, $0x0;
	s5 =	sld [smem:$0x3FAF]  }
0x2b: {  	s6 =	sld [smem:$0x3FB0]  }
0x2c: {  	s7 =	sld [smem:$0x3FB1]  }
0x2d: {  	s3 =	simm.s32 $0x108;
	s8 =	sld [smem:$0x3FB2]  }
0x2e: {  	s3 =	simm.s32 @!p0 $0x1082;
	s9 =	sld [smem:$0x3FB3]  }
0x2f: {  	lr =	sadd.s32 s0, s3;
	s0 =	sld [smem:$0x3FAA]  }
0x30: {  	s3 =	sld [smem:$0x3FAD]  }
0x31: {  	[smem:$0x3FB6] =	sst s10  }
0x32: {  	s10 =	sld [smem:$0x3FB4];
	_ =	sdelay $0x3  }
0x33: {  	p0 =	seq.s32 s10, $0x1;
	s10 =	sld [smem:$0x3FB6];
	_ =	sdelay $0x3  }
0x34: {  	[smem:$0x3FB6] =	sst s10  }
0x35: {  	s10 =	sld [smem:$0x3FB5];
	_ =	sdelay $0x3  }
0x36: {  	p1 =	seq.s32 s10, $0x1;
	s10 =	sld [smem:$0x3FB6];
	_ =	sdelay $0x3  }
0x37: {  	[smem:$0x3FB6] =	sst s10  }
0x38: {  	s10 =	sld [smem:$0x3FB7]  }
0x39: {  	_ = 	snop;
	(pc) =	sbr.ind lr, $3  }
0x3a: {  	_ = 	snop  }
0x3b: {  	_ = 	snop  }
0x3c: {  	p2 =	seq.s32 s10, $0x1;
	s10 =	sld [smem:$0x3FB6]  }
0x3d: {  	_ =	shalt  }
0x3e: {  	_ =	shalt  }
0x3f: {  	_ =	shalt  }
0x40: {  	_ =	shalt  }
0x41: {  	_ =	shalt  }
0x42: {  	_ =	shalt  }
0x43: {  	_ =	shalt  }
0x44: {  	_ =	shalt  }
0x45: {  	_ =	shalt  }
0x46: {  	_ =	shalt  }
0x47: {  	_ =	shalt  }
0x48: {  	_ =	shalt  }
0x49: {  	_ =	shalt  }
0x4a: {  	_ =	shalt  }
0x4b: {  	_ =	shalt  }
0x4c: {  	_ =	shalt  }
0x4d: {  	_ =	shalt  }
0x4e: {  	_ =	shalt  }
0x4f: {  	_ =	shalt  }
0x50: {  	_ =	shalt  }
0x51: {  	_ =	shalt  }
0x52: {  	_ =	shalt  }
0x53: {  	_ =	shalt  }
0x54: {  	_ =	shalt  }
0x55: {  	_ =	shalt  }
0x56: {  	_ =	shalt  }
0x57: {  	_ =	shalt  }
0x58: {  	_ =	shalt  }
0x59: {  	_ =	shalt  }
0x5a: {  	_ =	shalt  }
0x5b: {  	_ =	shalt  }
0x5c: {  	_ =	shalt  }
0x5d: {  	_ =	shalt  }
0x5e: {  	_ =	shalt  }
0x5f: {  	_ =	shalt  }
0x60: {  	_ =	shalt  }
0x61: {  	_ =	shalt  }
0x62: {  	_ =	shalt  }
0x63: {  	_ =	shalt  }
0x64: {  	_ =	shalt  }
0x65: {  	_ =	shalt  }
0x66: {  	_ =	shalt  }
0x67: {  	_ =	shalt  }
0x68: {  	_ =	shalt  }
0x69: {  	_ =	shalt  }
0x6a: {  	_ =	shalt  }
0x6b: {  	_ =	shalt  }
0x6c: {  	_ =	shalt  }
0x6d: {  	_ =	shalt  }
0x6e: {  	_ =	shalt  }
0x6f: {  	_ =	shalt  }
0x70: {  	_ =	shalt  }
0x71: {  	_ =	shalt  }
0x72: {  	_ =	shalt  }
0x73: {  	_ =	shalt  }
0x74: {  	_ =	shalt  }
0x75: {  	_ =	shalt  }
0x76: {  	_ =	shalt  }
0x77: {  	_ =	shalt  }
0x78: {  	_ =	shalt  }
0x79: {  	_ =	shalt  }
0x7a: {  	_ =	shalt  }
0x7b: {  	_ =	shalt  }
0x7c: {  	_ =	shalt  }
0x7d: {  	_ =	shalt  }
0x7e: {  	_ =	shalt  }
0x7f: {  	_ =	shalt  }
0x80: {  	_ =	shalt  }
0x81: {  	_ =	shalt  }
0x82: {  	_ =	shalt  }
0x83: {  	_ =	shalt  }
0x84: {  	_ =	shalt  }
0x85: {  	_ =	shalt  }
0x86: {  	_ =	shalt  }
0x87: {  	_ =	shalt  }
.Lfunc_end0:
.L_simem_size_0:
called_computation.1_lowered:
.L_overlay_start_0:
0x88: {  	s2 =	sld [smem:$0x3FD9]  }
0x89: {  	s3 =	sld [smem:$0x3FFE];
	_ =	sdelay $0x1  }
0x8a: {  	s1 =	srdreg.scid  }
0x8b: {  	s0 =	sand.u32 $0x1, s1  }
0x8c: {  	s17 =	sshll.u32 s0, $0xA;
	s2 =	sadd.s32 s3, s2  }
0x8d: {  	s2 =	sadd.s32 s2, s17  }
0x8e: {  	[smem:$0x3FC2] =	sst s2  }
0x8f: {  	_ = 	snop  }
0x90: {  	s2 =	sld [smem:$0x3FC7]  }
0x91: {  	s18 =	sld [smem:$0x3FD0];
	(tm) =	ssettm $0x1  }
0x92: {  	s4 =	sld [smem:$0x3FFB];
	_ =	sdelay $0x3  }
0x93: {  	_ =	strace s4  }
0x94: {  	s4 =	sld [smem:$0x3FFC];
	_ =	sdelay $0x3  }
0x95: {  	_ =	strace s4  }
0x96: {  	s4 =	sld [smem:$0x3FFD];
	_ =	sdelay $0x3  }
0x97: {  	_ =	strace s4  }
0x98: {  	_ =	strace $0x8FFFFFFF  }
0x99: {  	s19 =	sld [smem:$0x3FDB];
	_ =	sdelay $0x1  }
0x9a: {  	s5 =	simm.s32 $_scs_section_size  }
0x9b: {  	s6 =	simm.s32 $_size__tile_overlayer_lowered;
	s7 =	simm.s32 $_tile_overlayer_lowered  }
0x9c: {  	s22 =	simm.s32 $0x1BFF;
	s21 =	sshll.u32 s7, $0x1;
	s4 =	sadd.s32 s5, s19  }
0x9d: {  	s8 =	simm.s32 $0x0;
	s20 =	sshll.u32 s6, $0x1;
	s6 =	sadd.s32 s21, s4  }
0x9e: {  	[timem:s8], [sflag:s22] =	dma.local [hbm:s6], s20  }
0x9f: {  	_ =	swait.ge [sflag:s22], s20  }
0xa0: {  	s5 =	ssub.s32 $0x0, s20;
	[sflag:s22] =	ssyncset.done $0x0  }
0xa1: {  	[sflag:s22] =	ssyncadd.s32 s5;
	_ =	sdelay $0x1  }
0xa2: {  	s23 =	simm.s32 $0x1B8B  }
0xa3: {  	_ =	swait.ge [sflag:s23], $0x1  }
0xa4: {  	[sflag:s23] =	ssyncset.done $0x0  }
0xa5: {  	s25 =	simm.s32 $0x1B8E;
	s24 =	sld [smem:$0x3FFE];
	[sflag:s23] =	ssyncadd.s32 $0xFFFFFFFF  }
0xa6: {  	s26 =	simm.s32 $execute0_lowered;
	[smem:$0x3FD2] =	sst s25  }
0xa7: {  	s6 =	sshll.u32 s26, $0x1;
	_ =	strace $0x80000049;
	[dreg:$0x1] =	wrdreg $0xFFFFFFFF  }
0xa8: {  	s28 =	simm.s32 $_size_execute0_lowered;
	s4 =	sadd.s32 s4, s6;
	[dreg:$0x0] =	wrdreg $0x0  }
0xa9: {  	s6 =	sshll.u32 s28, $0x1;
	[dreg:$0x2] =	wrdreg s4  }
0xaa: {  	[dreg:$0x3] =	wrdreg s6  }
0xab: {  	[dreg:$0x4] =	wrdreg $0xC0  }
0xac: {  	_ =	task [dreg:s8], $0x5FFFF  }
0xad: {  	[dreg:$0x1] =	wrdreg $0xFFFFFFFF  }
0xae: {  	[dreg:$0x0] =	wrdreg $0x60  }
0xaf: {  	[dreg:$0x2] =	wrdreg s24  }
0xb0: {  	[dreg:$0x3] =	wrdreg s2  }
0xb1: {  	[dreg:$0x4] =	wrdreg s18  }
0xb2: {  	[dreg:$0x5] =	wrdreg $0x42680  }
0xb3: {  	[dreg:$0x6] =	wrdreg $0x9  }
0xb4: {  	_ =	task.clear_ibuf [dreg:s8], $0x7FFFF;
	_ =	strace $0x90000049  }
0xb5: {  	s29 =	simm.s32 $0x9;
	_ =	strace $0x8000004B  }
0xb6: {  	_ =	swait.ge [sflag:s29], $0x1  }
0xb7: {  	[sflag:s29] =	ssyncadd.s32 $0xFFFFFFFF  }
0xb8: {  	_ =	strace $0x9000004B  }
0xb9: {  	_ =	sfence  }
0xba: {  	s30 =	sld [smem:$0x0];
	_ =	sdelay $0x2  }
0xbb: {  	s31 =	sshll.u32 s1, $0xD;
	s1 =	sshrl.u32 s1, $0x2  }
0xbc: {  	s3 =	sand.u32 $0x4000, s31;
	s1 =	sadd.s32 s1, s30  }
0xbd: {  	s0 =	sor.u32 s3, s0;
	s1 =	sshll.u32 s1, $0x11  }
0xbe: {  	s0 =	sor.u32 s1, s0  }
0xbf: {  	s0 =	sadd.s32 $0x8F2B, s0  }
0xc0: {  	[sflag:s0] =	ssyncadd.remote.s32 $0x1  }
0xc1: {  	_ =	sfence.sel $0xFFFF  }
0xc2: {  	[dreg:$0x0] =	wrdreg $0xFFFFFFFF;
	(pc) =	sbr.abs _section_cstart, $3  }
0xc3: {  	[dreg:$0x1] =	wrdreg $0xFFFFFFFF  }
0xc4: {  	_ =	task.clear_ibuf [dreg:s8], $0x2FFFF;
	_ =	strace $0x9FFFFFFF  }
0xc5: {  	(tm) =	ssettm $0x7FFFFFFF  }
tec
execute0_lowered:
.L_overlay_start_1:
0x0: {  	(tag) =	ssettag $0x1  }
0x1: {  	s4 =	rddreg [dreg:$0x0]  }
0x2: {  	s9 =	rddreg [dreg:$0x1];
	s0 =	stileid.u32  }
0x3: {  	s5 =	rddreg [dreg:$0x2];
	s7 =	smul.u32 $0xC350, s0  }
0x4: {  	s1 =	srdreg.scid;
	s28 =	smul.u32 $0x2EE0, s0  }
0x5: {  	s2 =	rddreg [dreg:$0x3];
	s6 =	sand.u32 $0x1, s1;
	s14 =	smul.u32 $0x5DC0, s0  }
0x6: {  	s3 =	simm.s32 $0x0;
	s1 =	rddreg [dreg:$0x4];
	s8 =	smul.u32 $0xC3500, s6  }
0x7: {  	[smem:$0x7FF] =	sst s3;
	s29 =	sshll.u32 s0, $0x6;
	s10 =	smul.u32 $0x5DC00, s6  }
0x8: {  	_ =	strace $0x8000004A;
	s11 =	ssub.s32 $0x2, s6;
	s25 =	smul.u32 $0x2EE00, s6  }
0x9: {  	s12 =	sshrl.u32 s11, $0x1;
	s13 =	sadd.s32 s7, s2;
	s26 =	sshrl.u32 s7, $0x3  }
0xa: {  	s8 =	sadd.s32 s7, s8;
	s10 =	sadd.s32 s10, s4;
	s11 =	ssub.s32 s11, s12  }
0xb: {  	s30 =	sadd.s32 s28, s25;
	s12 =	simm.s32 $0x3E8;
	s8 =	sshrl.u32 s8, $0x3  }
0xc: {  	s7 =	smax.u32 s11, $0x1;
	s10 =	sadd.s32 s14, s10;
	s31 =	sshrl.u32 s30, $0x3  }
0xd: {  	s11 =	simm.s32 $0x1;
	s8 =	sadd.s32 s8, s4;
	s4 =	sadd.s32 s5, s26  }
0xe: {  	s5 =	sor.u32 $0x1C01, s29;
	s9 =	sadd.s32 s31, s9;
	s6 =	sadd.s32 $0x243400, s8  }
0xf: {  	s8 =	sadd.s32 $0x187C00, s10;
	s10 =	sshrl.u32 s13, $0x3;
	s13 =	simm.s32 $0x0  }
.LBB2_1:
0x10: {  	[spmem:s10], [sflag:s5] =	dma.local [hbm:s4], $0x186A  }
0x11: {  	_ =	swait.ge [sflag:s11], $0x186A  }
0x12: {  	[sflag:s11] =	ssyncset.done $0x0  }
0x13: {  	[sflag:s11] =	ssyncadd.s32 $0xFFFFE796  }
0x14: {  	s14 =	sadd.s32 $0x0, s9;
	[bflag:$0x0] =	sbarrier.arrive $0xFFFF  }
0x15: {  	[tilespmem:s3], [sflag:$0x1] =	stream.linear.gather [hbm4b:s14+s3], $0x3E8, $0x38;
	[tilespmem:$0x105B8] =	vst v63  }
0x16: {  	_ =	swait.ge [sflag:s11], $0x3E8  }
0x17: {  	[sflag:s11] =	ssyncset.done $0x0  }
0x18: {  	[sflag:s11] =	ssyncadd.s32 $0xFFFFFC18  }
0x19: {  	[tilespmem:s12], [sflag:$0x1] =	stream.linear.gather [hbm4b:s8+s3], $0x3E80, $0x38;
	[tilespmem:$0x105B8] =	vst v63  }
0x1a: {  	_ =	swait.ge [sflag:s11], $0x3E80  }
0x1b: {  	[sflag:s11] =	ssyncset.done $0x0  }
0x1c: {  	[sflag:s11] =	ssyncadd.s32 $0xFFFFC180  }
0x1d: {  	[spmem:s2] =	stream.indirect.scatter.add.f32 [tilespmem:s12], [sflag:$0x1], $0x10, s3, s12, $0xb8;
	[tilespmem:$0x105B8] =	vst v63  }
0x1e: {  	s15 =	simm.s32 $0x7D;
	_ =	swait.ge [sflag:s11], $0x3E80  }
0x1f: {  	s16 =	simm.s32 $0xFA;
	s14 =	sadd.s32 $0x7D0, s8;
	[sflag:s11] =	ssyncset.done $0x0  }
.LBB2_2:
0x20: {  	s17 =	sadd.s32 s15, s9  }
0x21: {  	[sflag:s11] =	ssyncadd.s32 $0xFFFFC180;
	s15 =	smov.u32 s16;
	s18 =	sadd.s32 $0x7D, s16  }
0x22: {  	[tilespmem:s3], [sflag:$0x1] =	stream.linear.gather [hbm4b:s17+s3], $0x3E8, $0x38;
	[tilespmem:$0x105B8] =	vst v63  }
0x23: {  	p0 =	sne.s32 s16, $0x55F;
	_ =	swait.ge [sflag:s11], $0x3E8  }
0x24: {  	[sflag:s11] =	ssyncset.done $0x0  }
0x25: {  	[sflag:s11] =	ssyncadd.s32 $0xFFFFFC18  }
0x26: {  	[tilespmem:s12], [sflag:$0x1] =	stream.linear.gather [hbm4b:s14+s3], $0x3E80, $0x38;
	[tilespmem:$0x105B8] =	vst v63  }
0x27: {  	_ =	swait.ge [sflag:s11], $0x3E80  }
.Ltmp0:
0x28: {  	[sflag:s11] =	ssyncset.done $0x0;
	(pc) =	sbr.rel @p0 .LBB2_2-.Ltmp0, $4  }
0x29: {  	[sflag:s11] =	ssyncadd.s32 $0xFFFFC180  }
0x2a: {  	[spmem:s2] =	stream.indirect.scatter.add.f32 [tilespmem:s12], [sflag:$0x1], $0x10, s3, s12, $0xb8;
	[tilespmem:$0x105B8] =	vst v63  }
0x2b: {  	_ =	swait.ge [sflag:s11], $0x3E80  }
0x2c: {  	s16 =	smov.u32 s18;
	s14 =	sadd.s32 $0x7D0, s14;
	[sflag:s11] =	ssyncset.done $0x0  }
0x2d: {  	s15 =	sadd.s32 s15, s9;
	[sflag:s11] =	ssyncadd.s32 $0xFFFFC180  }
0x2e: {  	[tilespmem:s3], [sflag:$0x1] =	stream.linear.gather [hbm4b:s15+s3], $0x3E8, $0x38;
	[tilespmem:$0x105B8] =	vst v63  }
0x2f: {  	_ =	swait.ge [sflag:s11], $0x3E8  }
0x30: {  	[sflag:s11] =	ssyncset.done $0x0  }
0x31: {  	[sflag:s11] =	ssyncadd.s32 $0xFFFFFC18  }
0x32: {  	[tilespmem:s12], [sflag:$0x1] =	stream.linear.gather [hbm4b:s14+s3], $0x3E80, $0x38;
	[tilespmem:$0x105B8] =	vst v63  }
0x33: {  	_ =	swait.ge [sflag:s11], $0x3E80  }
0x34: {  	[sflag:s11] =	ssyncset.done $0x0  }
0x35: {  	[sflag:s11] =	ssyncadd.s32 $0xFFFFC180  }
0x36: {  	[spmem:s2] =	stream.indirect.scatter.add.f32 [tilespmem:s12], [sflag:$0x1], $0x10, s3, s12, $0xb8;
	[tilespmem:$0x105B8] =	vst v63  }
0x37: {  	_ =	swait.ge [sflag:s11], $0x3E80  }
0x38: {  	s13 =	sadd.s32 $0x1, s13;
	[sflag:s11] =	ssyncset.done $0x0  }
0x39: {  	p0 =	sne.s32 s13, s7;
	[sflag:s11] =	ssyncadd.s32 $0xFFFFC180  }
.Ltmp1:
0x3a: {  	[bflag:$0x0] =	sbarrier.arrive $0xFFFF;
	(pc) =	sbr.rel @p0 .LBB2_1-.Ltmp1, $4  }
0x3b: {  	[hbm:s6], [sflag:s5] =	dma.local [spmem:s10], $0x186A  }
0x3c: {  	_ =	swait.ge [sflag:s11], $0x186A  }
0x3d: {  	[sflag:s11] =	ssyncset.done $0x0  }
0x3e: {  	[sflag:s11] =	ssyncadd.s32 $0xFFFFE796  }
0x3f: {  	_ =	sfence.sel $0x180000  }
0x40: {  	[bflag:$0x0] =	sbarrier.arrive $0xFFFF  }
0x41: {  	p0 =	sne.s32 s0, $0x0;
	_ =	strace $0x9000004A  }
0x42: {  	s0 =	sadd.s32 @!p0 $0x100000, s1;
	[bflag:$0x2] =	sbarrier.arrive $0xFFFF  }
0x43: {  	[sflag:s0] =	ssyncadd.tile.s32 @!p0 $0x1;
	_ =	shalt  }
.Lfunc_end2:
_tile_overlayer_lowered:
.L_overlay_start_2:
0x44: {  	(tag) =	ssettag $0x2  }
0x45: {  	s0 =	rddreg [dreg:$0x0];
	s2 =	stileid.u32  }
0x46: {  	s1 =	rddreg [dreg:$0x1];
	p0 =	sne.s32 s2, $0x0  }
0x47: {  	s3 =	rddreg [dreg:$0x2];
	[bflag:$0x3] =	sbarrier.arrive $0xFFFF;
	s2 =	simm.s32 @!p0 $0x1C01  }
0x48: {  	[timem:s3], [sflag:s2] =	dma.local @!p0 [hbm:s0], s1  }
0x49: {  	s0 =	simm.s32 @!p0 $0x1  }
0x4a: {  	_ =	swait.ge @!p0 [sflag:s0], s1  }
0x4b: {  	s1 =	ssub.s32 @!p0 $0x0, s1;
	[sflag:s0] =	ssyncset.done @!p0 $0x0  }
0x4c: {  	[sflag:s0] =	ssyncadd.s32 @!p0 s1  }
0x4d: {  	[bflag:$0x3] =	sbarrier.arrive $0xFFFF  }
0x4e: {  	_ =	shalt  }

// kernel: kernel.14.cloned.1.call-start
scs
__scs_entry_jumppad:
0x0: {  	(pc) =	sbr.rel $0x88, $3  }
0x1: {  	(tag) =	ssettag $0x0;
	lr =	simm.s32 $0x1  }
0x2: {  	[smem:$0x3F9B] =	sst lr;
	_ =	strace $0xD0000000  }
0x3: {  	_ = 	snop  }
0x4: {  	_ = 	snop  }
0x5: {  	_ = 	snop  }
0x6: {  	_ = 	snop  }
0x7: {  	_ = 	snop  }
__scs_overlays_trampoline_lowered:
0x8: {  	[smem:$0x3FAA] =	sst s0  }
0x9: {  	[smem:$0x3FAB] =	sst s1  }
0xa: {  	[smem:$0x3FAC] =	sst s2  }
0xb: {  	[smem:$0x3FAD] =	sst s3  }
0xc: {  	[smem:$0x3FAE] =	sst s4  }
0xd: {  	[smem:$0x3FAF] =	sst s5  }
0xe: {  	[smem:$0x3FB0] =	sst s6  }
0xf: {  	[smem:$0x3FB1] =	sst s7  }
0x10: {  	[smem:$0x3FB2] =	sst s8  }
0x11: {  	[smem:$0x3FB3] =	sst s9;
	s0 =	simm.s32 @!p0 $0x0  }
0x12: {  	s1 =	sld [smem:$0x3F99];
	s0 =	simm.s32 @p0 $0x1  }
0x13: {  	[smem:$0x3FB4] =	sst s0;
	s0 =	simm.s32 @!p1 $0x0  }
0x14: {  	s2 =	sld [smem:$0x3F98];
	s0 =	simm.s32 @p1 $0x1  }
0x15: {  	[smem:$0x3FB5] =	sst s0;
	s0 =	simm.s32 @!p2 $0x0  }
0x16: {  	s3 =	sld [smem:$0x3FDB];
	s0 =	simm.s32 @p2 $0x1  }
0x17: {  	s4 =	simm.s32 $0x1BF5;
	[smem:$0x3FB7] =	sst s0  }
0x18: {  	s0 =	sld [smem:$0x3F9A];
	_ =	swait.ge [sflag:s4], $0x0  }
0x19: {  	s7 =	sld [smem:$0x3F9B]  }
0x1a: {  	s8 =	sadd.s32 $0xFFFFE003, lr  }
0x1b: {  	s9 =	sadd.s32 $0xFFFFFEF7, lr;
	s5 =	simm.s32 $0xFFFFFFFF;
	p2 =	slt.u32 s8, $0xFFFFF086  }
0x1c: {  	p1 =	slt.u32 s9, $0xF7A;
	s5 =	simm.s32 @!p2 $0x0  }
0x1d: {  	s5 =	simm.s32 @p1 $0x1;
	p0 =	seq.s32 s7, s2  }
0x1e: {  	s7 =	smul.u32 @!p0 $0xF7A, s2;
	p2 =	seq.s32 @!p0 s5, $0x0  }
0x1f: {  	s9 =	smul.u32 $0xF7A, s1;
	s8 =	simm.s32 @!p0 $0x1BF5;
	p2 =	por !p2, p0  }
0x20: {  	[sflag:s8] =	ssyncset.s32 @!p0 $0xFFFFF086;
	s6 =	sadd.s32 @!p0 s3, s7;
	s7 =	simm.s32 @!p0 $0x108  }
0x21: {  	s3 =	sadd.s32 s3, s9;
	s6 =	sadd.s32 @!p0 $0x88, s6;
	s7 =	simm.s32 @p2 $0x1082  }
0x22: {  	[simem:s7], [sflag:s8] =	dma.local @!p0 [hbm:s6], $0xF7A  }
0x23: {  	s9 =	sor.u32 $0xD0000000, s2;
	s6 =	simm.s32 $0x108;
	_ =	swait.ge @!p0 [sflag:s8], $0x0  }
0x24: {  	s3 =	sadd.s32 $0x88, s3;
	s6 =	simm.s32 @!p1 $0x1082;
	[sflag:s4] =	ssyncset.s32 $0xFFFFF086  }
0x25: {  	[simem:s6], [sflag:s4] =	dma.local [hbm:s3], $0xF7A  }
0x26: {  	[smem:$0x3F9B] =	sst s1;
	(tag) =	ssettag s2;
	_ =	strace s9  }
0x27: {  	s1 =	sld [smem:$0x3FAB]  }
0x28: {  	s2 =	sld [smem:$0x3FAC]  }
0x29: {  	s4 =	sld [smem:$0x3FAE]  }
0x2a: {  	p0 =	seq.s32 s5, $0x0;
	s5 =	sld [smem:$0x3FAF]  }
0x2b: {  	s6 =	sld [smem:$0x3FB0]  }
0x2c: {  	s7 =	sld [smem:$0x3FB1]  }
0x2d: {  	s3 =	simm.s32 $0x108;
	s8 =	sld [smem:$0x3FB2]  }
0x2e: {  	s3 =	simm.s32 @!p0 $0x1082;
	s9 =	sld [smem:$0x3FB3]  }
0x2f: {  	lr =	sadd.s32 s0, s3;
	s0 =	sld [smem:$0x3FAA]  }
0x30: {  	s3 =	sld [smem:$0x3FAD]  }
0x31: {  	[smem:$0x3FB6] =	sst s10  }
0x32: {  	s10 =	sld [smem:$0x3FB4];
	_ =	sdelay $0x3  }
0x33: {  	p0 =	seq.s32 s10, $0x1;
	s10 =	sld [smem:$0x3FB6];
	_ =	sdelay $0x3  }
0x34: {  	[smem:$0x3FB6] =	sst s10  }
0x35: {  	s10 =	sld [smem:$0x3FB5];
	_ =	sdelay $0x3  }
0x36: {  	p1 =	seq.s32 s10, $0x1;
	s10 =	sld [smem:$0x3FB6];
	_ =	sdelay $0x3  }
0x37: {  	[smem:$0x3FB6] =	sst s10  }
0x38: {  	s10 =	sld [smem:$0x3FB7]  }
0x39: {  	_ = 	snop;
	(pc) =	sbr.ind lr, $3  }
0x3a: {  	_ = 	snop  }
0x3b: {  	_ = 	snop  }
0x3c: {  	p2 =	seq.s32 s10, $0x1;
	s10 =	sld [smem:$0x3FB6]  }
0x3d: {  	_ =	shalt  }
0x3e: {  	_ =	shalt  }
0x3f: {  	_ =	shalt  }
0x40: {  	_ =	shalt  }
0x41: {  	_ =	shalt  }
0x42: {  	_ =	shalt  }
0x43: {  	_ =	shalt  }
0x44: {  	_ =	shalt  }
0x45: {  	_ =	shalt  }
0x46: {  	_ =	shalt  }
0x47: {  	_ =	shalt  }
0x48: {  	_ =	shalt  }
0x49: {  	_ =	shalt  }
0x4a: {  	_ =	shalt  }
0x4b: {  	_ =	shalt  }
0x4c: {  	_ =	shalt  }
0x4d: {  	_ =	shalt  }
0x4e: {  	_ =	shalt  }
0x4f: {  	_ =	shalt  }
0x50: {  	_ =	shalt  }
0x51: {  	_ =	shalt  }
0x52: {  	_ =	shalt  }
0x53: {  	_ =	shalt  }
0x54: {  	_ =	shalt  }
0x55: {  	_ =	shalt  }
0x56: {  	_ =	shalt  }
0x57: {  	_ =	shalt  }
0x58: {  	_ =	shalt  }
0x59: {  	_ =	shalt  }
0x5a: {  	_ =	shalt  }
0x5b: {  	_ =	shalt  }
0x5c: {  	_ =	shalt  }
0x5d: {  	_ =	shalt  }
0x5e: {  	_ =	shalt  }
0x5f: {  	_ =	shalt  }
0x60: {  	_ =	shalt  }
0x61: {  	_ =	shalt  }
0x62: {  	_ =	shalt  }
0x63: {  	_ =	shalt  }
0x64: {  	_ =	shalt  }
0x65: {  	_ =	shalt  }
0x66: {  	_ =	shalt  }
0x67: {  	_ =	shalt  }
0x68: {  	_ =	shalt  }
0x69: {  	_ =	shalt  }
0x6a: {  	_ =	shalt  }
0x6b: {  	_ =	shalt  }
0x6c: {  	_ =	shalt  }
0x6d: {  	_ =	shalt  }
0x6e: {  	_ =	shalt  }
0x6f: {  	_ =	shalt  }
0x70: {  	_ =	shalt  }
0x71: {  	_ =	shalt  }
0x72: {  	_ =	shalt  }
0x73: {  	_ =	shalt  }
0x74: {  	_ =	shalt  }
0x75: {  	_ =	shalt  }
0x76: {  	_ =	shalt  }
0x77: {  	_ =	shalt  }
0x78: {  	_ =	shalt  }
0x79: {  	_ =	shalt  }
0x7a: {  	_ =	shalt  }
0x7b: {  	_ =	shalt  }
0x7c: {  	_ =	shalt  }
0x7d: {  	_ =	shalt  }
0x7e: {  	_ =	shalt  }
0x7f: {  	_ =	shalt  }
0x80: {  	_ =	shalt  }
0x81: {  	_ =	shalt  }
0x82: {  	_ =	shalt  }
0x83: {  	_ =	shalt  }
0x84: {  	_ =	shalt  }
0x85: {  	_ =	shalt  }
0x86: {  	_ =	shalt  }
0x87: {  	_ =	shalt  }
.Lfunc_end0:
.L_simem_size_0:
called_computation.2_lowered:
.L_overlay_start_0:
0x88: {  	s2 =	sld [smem:$0x3FD9]  }
0x89: {  	s3 =	sld [smem:$0x3FFE];
	_ =	sdelay $0x1  }
0x8a: {  	s1 =	srdreg.scid  }
0x8b: {  	s0 =	sand.u32 $0x1, s1  }
0x8c: {  	s17 =	sshll.u32 s0, $0xA;
	s2 =	sadd.s32 s3, s2  }
0x8d: {  	s2 =	sadd.s32 s2, s17  }
0x8e: {  	[smem:$0x3FC2] =	sst s2  }
0x8f: {  	_ = 	snop  }
0x90: {  	s18 =	sld [smem:$0x3FC7]  }
0x91: {  	s4 =	sld [smem:$0x3FD0];
	(tm) =	ssettm $0x1  }
0x92: {  	s19 =	sld [smem:$0x3FFB];
	_ =	sdelay $0x3  }
0x93: {  	_ =	strace s19  }
0x94: {  	s2 =	sld [smem:$0x3FFC];
	_ =	sdelay $0x3  }
0x95: {  	_ =	strace s2  }
0x96: {  	s2 =	sld [smem:$0x3FFD];
	_ =	sdelay $0x3  }
0x97: {  	_ =	strace s2  }
0x98: {  	_ =	strace $0x8FFFFFFF  }
0x99: {  	s20 =	sld [smem:$0x3FDB];
	_ =	sdelay $0x1  }
0x9a: {  	s5 =	simm.s32 $_scs_section_size  }
0x9b: {  	s6 =	simm.s32 $_size__tile_overlayer_lowered;
	s7 =	simm.s32 $_tile_overlayer_lowered  }
0x9c: {  	s8 =	simm.s32 $0x1BFF;
	s21 =	sshll.u32 s7, $0x1;
	s5 =	sadd.s32 s5, s20  }
0x9d: {  	s22 =	simm.s32 $0x0;
	s6 =	sshll.u32 s6, $0x1;
	s7 =	sadd.s32 s21, s5  }
0x9e: {  	[timem:s22], [sflag:s8] =	dma.local [hbm:s7], s6  }
0x9f: {  	_ =	swait.ge [sflag:s8], s6  }
0xa0: {  	s6 =	ssub.s32 $0x0, s6;
	[sflag:s8] =	ssyncset.done $0x0  }
0xa1: {  	[sflag:s8] =	ssyncadd.s32 s6;
	_ =	sdelay $0x1  }
0xa2: {  	s23 =	simm.s32 $0x1B8B  }
0xa3: {  	_ =	swait.ge [sflag:s23], $0x1  }
0xa4: {  	[sflag:s23] =	ssyncset.done $0x0  }
0xa5: {  	[sflag:s23] =	ssyncadd.s32 $0xFFFFFFFF  }
0xa6: {  	s6 =	sld [smem:$0x0]  }
0xa7: {  	s7 =	sand.u32 $0xFFFFFFFE, s1  }
0xa8: {  	p0 =	sne.s32 s1, s7  }
0xa9: {  	s7 =	sshll.u32 @p0 s7, $0xE  }
0xaa: {  	s7 =	sadd.s32 @p0 $0x11B8D, s7;
	s8 =	sshll.u32 @p0 s6, $0x11  }
0xab: {  	s7 =	sor.u32 @p0 s8, s7  }
0xac: {  	[sflag:s7] =	ssyncadd.remote.s32 @p0 $0x1;
	_ =	sdelay $0x1  }
0xad: {  	s7 =	simm.s32 @p0 $0x1B8D  }
0xae: {  	_ =	swait.eq @p0 [sflag:s7], $0x1  }
0xaf: {  	[sflag:s7] =	ssyncadd.s32 @p0 $0xFFFFFFFF  }
0xb0: {  	s8 =	sshll.u32 @!p0 s1, $0xE  }
0xb1: {  	s8 =	sor.u32 @!p0 $0x4000, s8;
	s7 =	simm.s32 @!p0 $0x1B8D  }
0xb2: {  	s6 =	sshll.u32 @!p0 s6, $0x11;
	s8 =	sadd.s32 @!p0 $0x11B8D, s8;
	_ =	swait.eq @!p0 [sflag:s7], $0x1  }
0xb3: {  	s6 =	sor.u32 @!p0 s6, s8;
	[sflag:s7] =	ssyncadd.s32 @!p0 $0xFFFFFFFF  }
0xb4: {  	s25 =	simm.s32 $0x1B8E;
	s24 =	sld [smem:$0x3FFE];
	[sflag:s6] =	ssyncadd.remote.s32 @!p0 $0x1  }
0xb5: {  	s26 =	simm.s32 $execute0_lowered;
	[smem:$0x3FD2] =	sst s25  }
0xb6: {  	s7 =	sshll.u32 s26, $0x1;
	_ =	strace $0x8000004C;
	[dreg:$0x1] =	wrdreg $0xFFFFFFFF  }
0xb7: {  	s28 =	simm.s32 $_size_execute0_lowered;
	s5 =	sadd.s32 s5, s7;
	[dreg:$0x0] =	wrdreg $0x0  }
0xb8: {  	s7 =	sshll.u32 s28, $0x1;
	[dreg:$0x2] =	wrdreg s5  }
0xb9: {  	[dreg:$0x3] =	wrdreg s7  }
0xba: {  	[dreg:$0x4] =	wrdreg $0xC0  }
0xbb: {  	_ =	task [dreg:s22], $0x5FFFF  }
0xbc: {  	[dreg:$0x1] =	wrdreg $0xFFFFFFFF  }
0xbd: {  	[dreg:$0x0] =	wrdreg $0x60  }
0xbe: {  	[dreg:$0x2] =	wrdreg s24  }
0xbf: {  	[dreg:$0x3] =	wrdreg s18  }
0xc0: {  	[dreg:$0x4] =	wrdreg s4  }
0xc1: {  	[dreg:$0x5] =	wrdreg $0x42680  }
0xc2: {  	[dreg:$0x6] =	wrdreg $0xA  }
0xc3: {  	_ =	task.clear_ibuf [dreg:s22], $0x7FFFF;
	_ =	strace $0x9000004C  }
0xc4: {  	s29 =	simm.s32 $0xA;
	_ =	strace $0x8000004E  }
0xc5: {  	_ =	swait.ge [sflag:s29], $0x1  }
0xc6: {  	[sflag:s29] =	ssyncadd.s32 $0xFFFFFFFF  }
0xc7: {  	_ =	strace $0x9000004E  }
0xc8: {  	_ =	sfence  }
0xc9: {  	s30 =	sld [smem:$0x0];
	_ =	sdelay $0x2  }
0xca: {  	s31 =	sshll.u32 s1, $0xD;
	s1 =	sshrl.u32 s1, $0x2  }
0xcb: {  	s4 =	sand.u32 $0x4000, s31;
	s1 =	sadd.s32 s1, s30  }
0xcc: {  	s0 =	sor.u32 s4, s0;
	s1 =	sshll.u32 s1, $0x11  }
0xcd: {  	s0 =	sor.u32 s1, s0  }
0xce: {  	s0 =	sadd.s32 $0x8F2B, s0  }
0xcf: {  	[sflag:s0] =	ssyncadd.remote.s32 $0x1  }
0xd0: {  	_ =	sfence.sel $0xFFFF  }
0xd1: {  	[dreg:$0x0] =	wrdreg $0xFFFFFFFF;
	(pc) =	sbr.abs _section_cstart, $3  }
0xd2: {  	[dreg:$0x1] =	wrdreg $0xFFFFFFFF  }
0xd3: {  	_ =	task.clear_ibuf [dreg:s22], $0x2FFFF;
	_ =	strace $0x9FFFFFFF  }
0xd4: {  	(tm) =	ssettm $0x7FFFFFFF  }
0xd5: {  	_ =	shalt  }
tec
execute0_lowered:
.L_overlay_start_1:
0x0: {  	(tag) =	ssettag $0x1  }
0x1: {  	s4 =	rddreg [dreg:$0x0]  }
0x2: {  	s9 =	rddreg [dreg:$0x1]  }
0x3: {  	s1 =	srdreg.scid;
	s0 =	stileid.u32  }
0x4: {  	s5 =	rddreg [dreg:$0x2];
	s7 =	smul.u32 $0xC350, s0  }
0x5: {  	s2 =	rddreg [dreg:$0x3];
	s3 =	simm.s32 $0x0;
	s13 =	smul.u32 $0x32C8, s0  }
0x6: {  	s6 =	sand.u32 $0x1, s1;
	s1 =	rddreg [dreg:$0x4];
	s28 =	smul.u32 $0x6590, s0  }
0x7: {  	[smem:$0x7FF] =	sst s3;
	s8 =	smul.u32 $0xC3500, s6  }
0x8: {  	s26 =	sshll.u32 s0, $0x6;
	s10 =	smul.u32 $0x65900, s6;
	s25 =	ssub.s32 $0x2, s6  }
0x9: {  	_ =	strace $0x8000004D;
	s6 =	smul.u32 $0x32C80, s6;
	s11 =	sshrl.u32 s25, $0x1  }
0xa: {  	s12 =	sshrl.u32 s7, $0x3;
	s14 =	sadd.s32 s7, s2;
	s8 =	sadd.s32 s7, s8  }
0xb: {  	s10 =	sadd.s32 s10, s4;
	s11 =	ssub.s32 s25, s11;
	s29 =	sadd.s32 s13, s6  }
0xc: {  	s13 =	simm.s32 $0x0;
	s8 =	sshrl.u32 s8, $0x3;
	s30 =	sadd.s32 $0x5DC00, s29  }
0xd: {  	s7 =	smax.u32 s11, $0x1;
	s10 =	sadd.s32 s28, s10;
	s11 =	simm.s32 $0x1  }
0xe: {  	s8 =	sadd.s32 s8, s4;
	s4 =	sadd.s32 s5, s12;
	s5 =	sor.u32 $0x1C01, s26  }
0xf: {  	s31 =	sshrl.u32 s30, $0x3;
	s12 =	simm.s32 $0x3E8;
	s6 =	sadd.s32 $0x1200, s8  }
0x10: {  	s8 =	sadd.s32 $0x274200, s10;
	s9 =	sadd.s32 s31, s9;
	s10 =	sshrl.u32 s14, $0x3  }
.LBB2_1:
0x11: {  	[spmem:s10], [sflag:s5] =	dma.local [hbm:s4], $0x186A  }
0x12: {  	_ =	swait.ge [sflag:s11], $0x186A  }
0x13: {  	[sflag:s11] =	ssyncset.done $0x0  }
0x14: {  	[sflag:s11] =	ssyncadd.s32 $0xFFFFE796  }
0x15: {  	s14 =	sadd.s32 $0x0, s9;
	[bflag:$0x0] =	sbarrier.arrive $0xFFFF  }
0x16: {  	[tilespmem:s3], [sflag:$0x1] =	stream.linear.gather [hbm4b:s14+s3], $0x3E8, $0x38;
	[tilespmem:$0x105B8] =	vst v63  }
0x17: {  	_ =	swait.ge [sflag:s11], $0x3E8  }
0x18: {  	[sflag:s11] =	ssyncset.done $0x0  }
0x19: {  	[sflag:s11] =	ssyncadd.s32 $0xFFFFFC18  }
0x1a: {  	[tilespmem:s12], [sflag:$0x1] =	stream.linear.gather [hbm4b:s8+s3], $0x3E80, $0x38;
	[tilespmem:$0x105B8] =	vst v63  }
0x1b: {  	_ =	swait.ge [sflag:s11], $0x3E80  }
0x1c: {  	[sflag:s11] =	ssyncset.done $0x0  }
0x1d: {  	[sflag:s11] =	ssyncadd.s32 $0xFFFFC180  }
0x1e: {  	[spmem:s2] =	stream.indirect.scatter.add.f32 [tilespmem:s12], [sflag:$0x1], $0x10, s3, s12, $0xb8;
	[tilespmem:$0x105B8] =	vst v63  }
0x1f: {  	s15 =	simm.s32 $0x7D;
	_ =	swait.ge [sflag:s11], $0x3E80  }
0x20: {  	s16 =	simm.s32 $0xFA;
	s14 =	sadd.s32 $0x7D0, s8;
	[sflag:s11] =	ssyncset.done $0x0  }
.LBB2_2:
0x21: {  	s17 =	sadd.s32 s15, s9  }
0x22: {  	[sflag:s11] =	ssyncadd.s32 $0xFFFFC180;
	s15 =	smov.u32 s16;
	s18 =	sadd.s32 $0x7D, s16  }
0x23: {  	[tilespmem:s3], [sflag:$0x1] =	stream.linear.gather [hbm4b:s17+s3], $0x3E8, $0x38;
	[tilespmem:$0x105B8] =	vst v63  }
0x24: {  	p0 =	sne.s32 s16, $0x5DC;
	_ =	swait.ge [sflag:s11], $0x3E8  }
0x25: {  	[sflag:s11] =	ssyncset.done $0x0  }
0x26: {  	[sflag:s11] =	ssyncadd.s32 $0xFFFFFC18  }
0x27: {  	[tilespmem:s12], [sflag:$0x1] =	stream.linear.gather [hbm4b:s14+s3], $0x3E80, $0x38;
	[tilespmem:$0x105B8] =	vst v63  }
0x28: {  	_ =	swait.ge [sflag:s11], $0x3E80  }
.Ltmp0:
0x29: {  	[sflag:s11] =	ssyncset.done $0x0;
	(pc) =	sbr.rel @p0 .LBB2_2-.Ltmp0, $4  }
0x2a: {  	[sflag:s11] =	ssyncadd.s32 $0xFFFFC180  }
0x2b: {  	[spmem:s2] =	stream.indirect.scatter.add.f32 [tilespmem:s12], [sflag:$0x1], $0x10, s3, s12, $0xb8;
	[tilespmem:$0x105B8] =	vst v63  }
0x2c: {  	_ =	swait.ge [sflag:s11], $0x3E80  }
0x2d: {  	s16 =	smov.u32 s18;
	s14 =	sadd.s32 $0x7D0, s14;
	[sflag:s11] =	ssyncset.done $0x0  }
0x2e: {  	s15 =	sadd.s32 s15, s9;
	[sflag:s11] =	ssyncadd.s32 $0xFFFFC180  }
0x2f: {  	[tilespmem:s3], [sflag:$0x1] =	stream.linear.gather [hbm4b:s15+s3], $0x3E8, $0x38;
	[tilespmem:$0x105B8] =	vst v63  }
0x30: {  	_ =	swait.ge [sflag:s11], $0x3E8  }
0x31: {  	[sflag:s11] =	ssyncset.done $0x0  }
0x32: {  	[sflag:s11] =	ssyncadd.s32 $0xFFFFFC18  }
0x33: {  	[tilespmem:s12], [sflag:$0x1] =	stream.linear.gather [hbm4b:s14+s3], $0x3E80, $0x38;
	[tilespmem:$0x105B8] =	vst v63  }
0x34: {  	_ =	swait.ge [sflag:s11], $0x3E80  }
0x35: {  	[sflag:s11] =	ssyncset.done $0x0  }
0x36: {  	[sflag:s11] =	ssyncadd.s32 $0xFFFFC180  }
0x37: {  	[spmem:s2] =	stream.indirect.scatter.add.f32 [tilespmem:s12], [sflag:$0x1], $0x10, s3, s12, $0xb8;
	[tilespmem:$0x105B8] =	vst v63  }
0x38: {  	_ =	swait.ge [sflag:s11], $0x3E80  }
0x39: {  	s13 =	sadd.s32 $0x1, s13;
	[sflag:s11] =	ssyncset.done $0x0  }
0x3a: {  	p0 =	sne.s32 s13, s7;
	[sflag:s11] =	ssyncadd.s32 $0xFFFFC180  }
.Ltmp1:
0x3b: {  	[bflag:$0x0] =	sbarrier.arrive $0xFFFF;
	(pc) =	sbr.rel @p0 .LBB2_1-.Ltmp1, $4  }
0x3c: {  	[hbm:s6], [sflag:s5] =	dma.local [spmem:s10], $0x186A  }
0x3d: {  	_ =	swait.ge [sflag:s11], $0x186A  }
0x3e: {  	[sflag:s11] =	ssyncset.done $0x0  }
0x3f: {  	[sflag:s11] =	ssyncadd.s32 $0xFFFFE796  }
0x40: {  	_ =	sfence.sel $0x180000  }
0x41: {  	[bflag:$0x0] =	sbarrier.arrive $0xFFFF  }
0x42: {  	p0 =	sne.s32 s0, $0x0;
	_ =	strace $0x9000004D  }
0x43: {  	s0 =	sadd.s32 @!p0 $0x100000, s1;
	[bflag:$0x2] =	sbarrier.arrive $0xFFFF  }
0x44: {  	[sflag:s0] =	ssyncadd.tile.s32 @!p0 $0x1;
	_ =	shalt  }
.Lfunc_end2:
_tile_overlayer_lowered:
.L_overlay_start_2:
0x45: {  	(tag) =	ssettag $0x2  }
0x46: {  	s0 =	rddreg [dreg:$0x0];
	s2 =	stileid.u32  }
0x47: {  	s1 =	rddreg [dreg:$0x1];
	p0 =	sne.s32 s2, $0x0  }
0x48: {  	s3 =	rddreg [dreg:$0x2];
	[bflag:$0x3] =	sbarrier.arrive $0xFFFF;
	s2 =	simm.s32 @!p0 $0x1C01  }
0x49: {  	[timem:s3], [sflag:s2] =	dma.local @!p0 [hbm:s0], s1  }
0x4a: {  	s0 =	simm.s32 @!p0 $0x1  }
0x4b: {  	_ =	swait.ge @!p0 [sflag:s0], s1  }
0x4c: {  	s1 =	ssub.s32 @!p0 $0x0, s1;
	[sflag:s0] =	ssyncset.done @!p0 $0x0  }
0x4d: {  	[sflag:s0] =	ssyncadd.s32 @!p0 s1  }
0x4e: {  	[bflag:$0x3] =	sbarrier.arrive $0xFFFF  }
0x4f: {  	_ =	shalt  }

// kernel: kernel.8.cloned.1.call-start
scs
__scs_entry_jumppad:
0x0: {  	(pc) =	sbr.rel $0x88, $3  }
0x1: {  	(tag) =	ssettag $0x0;
	lr =	simm.s32 $0x1  }
0x2: {  	[smem:$0x3F9B] =	sst lr;
	_ =	strace $0xD0000000  }
0x3: {  	_ = 	snop  }
0x4: {  	_ = 	snop  }
0x5: {  	_ = 	snop  }
0x6: {  	_ = 	snop  }
0x7: {  	_ = 	snop  }
__scs_overlays_trampoline_lowered:
0x8: {  	[smem:$0x3FAA] =	sst s0  }
0x9: {  	[smem:$0x3FAB] =	sst s1  }
0xa: {  	[smem:$0x3FAC] =	sst s2  }
0xb: {  	[smem:$0x3FAD] =	sst s3  }
0xc: {  	[smem:$0x3FAE] =	sst s4  }
0xd: {  	[smem:$0x3FAF] =	sst s5  }
0xe: {  	[smem:$0x3FB0] =	sst s6  }
0xf: {  	[smem:$0x3FB1] =	sst s7  }
0x10: {  	[smem:$0x3FB2] =	sst s8  }
0x11: {  	[smem:$0x3FB3] =	sst s9;
	s0 =	simm.s32 @!p0 $0x0  }
0x12: {  	s1 =	sld [smem:$0x3F99];
	s0 =	simm.s32 @p0 $0x1  }
0x13: {  	[smem:$0x3FB4] =	sst s0;
	s0 =	simm.s32 @!p1 $0x0  }
0x14: {  	s2 =	sld [smem:$0x3F98];
	s0 =	simm.s32 @p1 $0x1  }
0x15: {  	[smem:$0x3FB5] =	sst s0;
	s0 =	simm.s32 @!p2 $0x0  }
0x16: {  	s3 =	sld [smem:$0x3FDB];
	s0 =	simm.s32 @p2 $0x1  }
0x17: {  	s4 =	simm.s32 $0x1BF5;
	[smem:$0x3FB7] =	sst s0  }
0x18: {  	s0 =	sld [smem:$0x3F9A];
	_ =	swait.ge [sflag:s4], $0x0  }
0x19: {  	s7 =	sld [smem:$0x3F9B]  }
0x1a: {  	s8 =	sadd.s32 $0xFFFFE003, lr  }
0x1b: {  	s9 =	sadd.s32 $0xFFFFFEF7, lr;
	s5 =	simm.s32 $0xFFFFFFFF;
	p2 =	slt.u32 s8, $0xFFFFF086  }
0x1c: {  	p1 =	slt.u32 s9, $0xF7A;
	s5 =	simm.s32 @!p2 $0x0  }
0x1d: {  	s5 =	simm.s32 @p1 $0x1;
	p0 =	seq.s32 s7, s2  }
0x1e: {  	s7 =	smul.u32 @!p0 $0xF7A, s2;
	p2 =	seq.s32 @!p0 s5, $0x0  }
0x1f: {  	s9 =	smul.u32 $0xF7A, s1;
	s8 =	simm.s32 @!p0 $0x1BF5;
	p2 =	por !p2, p0  }
0x20: {  	[sflag:s8] =	ssyncset.s32 @!p0 $0xFFFFF086;
	s6 =	sadd.s32 @!p0 s3, s7;
	s7 =	simm.s32 @!p0 $0x108  }
0x21: {  	s3 =	sadd.s32 s3, s9;
	s6 =	sadd.s32 @!p0 $0x88, s6;
	s7 =	simm.s32 @p2 $0x1082  }
0x22: {  	[simem:s7], [sflag:s8] =	dma.local @!p0 [hbm:s6], $0xF7A  }
0x23: {  	s9 =	sor.u32 $0xD0000000, s2;
	s6 =	simm.s32 $0x108;
	_ =	swait.ge @!p0 [sflag:s8], $0x0  }
0x24: {  	s3 =	sadd.s32 $0x88, s3;
	s6 =	simm.s32 @!p1 $0x1082;
	[sflag:s4] =	ssyncset.s32 $0xFFFFF086  }
0x25: {  	[simem:s6], [sflag:s4] =	dma.local [hbm:s3], $0xF7A  }
0x26: {  	[smem:$0x3F9B] =	sst s1;
	(tag) =	ssettag s2;
	_ =	strace s9  }
0x27: {  	s1 =	sld [smem:$0x3FAB]  }
0x28: {  	s2 =	sld [smem:$0x3FAC]  }
0x29: {  	s4 =	sld [smem:$0x3FAE]  }
0x2a: {  	p0 =	seq.s32 s5, $0x0;
	s5 =	sld [smem:$0x3FAF]  }
0x2b: {  	s6 =	sld [smem:$0x3FB0]  }
0x2c: {  	s7 =	sld [smem:$0x3FB1]  }
0x2d: {  	s3 =	simm.s32 $0x108;
	s8 =	sld [smem:$0x3FB2]  }
0x2e: {  	s3 =	simm.s32 @!p0 $0x1082;
	s9 =	sld [smem:$0x3FB3]  }
0x2f: {  	lr =	sadd.s32 s0, s3;
	s0 =	sld [smem:$0x3FAA]  }
0x30: {  	s3 =	sld [smem:$0x3FAD]  }
0x31: {  	[smem:$0x3FB6] =	sst s10  }
0x32: {  	s10 =	sld [smem:$0x3FB4];
	_ =	sdelay $0x3  }
0x33: {  	p0 =	seq.s32 s10, $0x1;
	s10 =	sld [smem:$0x3FB6];
	_ =	sdelay $0x3  }
0x34: {  	[smem:$0x3FB6] =	sst s10  }
0x35: {  	s10 =	sld [smem:$0x3FB5];
	_ =	sdelay $0x3  }
0x36: {  	p1 =	seq.s32 s10, $0x1;
	s10 =	sld [smem:$0x3FB6];
	_ =	sdelay $0x3  }
0x37: {  	[smem:$0x3FB6] =	sst s10  }
0x38: {  	s10 =	sld [smem:$0x3FB7]  }
0x39: {  	_ = 	snop;
	(pc) =	sbr.ind lr, $3  }
0x3a: {  	_ = 	snop  }
0x3b: {  	_ = 	snop  }
0x3c: {  	p2 =	seq.s32 s10, $0x1;
	s10 =	sld [smem:$0x3FB6]  }
0x3d: {  	_ =	shalt  }
0x3e: {  	_ =	shalt  }
0x3f: {  	_ =	shalt  }
0x40: {  	_ =	shalt  }
0x41: {  	_ =	shalt  }
0x42: {  	_ =	shalt  }
0x43: {  	_ =	shalt  }
0x44: {  	_ =	shalt  }
0x45: {  	_ =	shalt  }
0x46: {  	_ =	shalt  }
0x47: {  	_ =	shalt  }
0x48: {  	_ =	shalt  }
0x49: {  	_ =	shalt  }
0x4a: {  	_ =	shalt  }
0x4b: {  	_ =	shalt  }
0x4c: {  	_ =	shalt  }
0x4d: {  	_ =	shalt  }
0x4e: {  	_ =	shalt  }
0x4f: {  	_ =	shalt  }
0x50: {  	_ =	shalt  }
0x51: {  	_ =	shalt  }
0x52: {  	_ =	shalt  }
0x53: {  	_ =	shalt  }
0x54: {  	_ =	shalt  }
0x55: {  	_ =	shalt  }
0x56: {  	_ =	shalt  }
0x57: {  	_ =	shalt  }
0x58: {  	_ =	shalt  }
0x59: {  	_ =	shalt  }
0x5a: {  	_ =	shalt  }
0x5b: {  	_ =	shalt  }
0x5c: {  	_ =	shalt  }
0x5d: {  	_ =	shalt  }
0x5e: {  	_ =	shalt  }
0x5f: {  	_ =	shalt  }
0x60: {  	_ =	shalt  }
0x61: {  	_ =	shalt  }
0x62: {  	_ =	shalt  }
0x63: {  	_ =	shalt  }
0x64: {  	_ =	shalt  }
0x65: {  	_ =	shalt  }
0x66: {  	_ =	shalt  }
0x67: {  	_ =	shalt  }
0x68: {  	_ =	shalt  }
0x69: {  	_ =	shalt  }
0x6a: {  	_ =	shalt  }
0x6b: {  	_ =	shalt  }
0x6c: {  	_ =	shalt  }
0x6d: {  	_ =	shalt  }
0x6e: {  	_ =	shalt  }
0x6f: {  	_ =	shalt  }
0x70: {  	_ =	shalt  }
0x71: {  	_ =	shalt  }
0x72: {  	_ =	shalt  }
0x73: {  	_ =	shalt  }
0x74: {  	_ =	shalt  }
0x75: {  	_ =	shalt  }
0x76: {  	_ =	shalt  }
0x77: {  	_ =	shalt  }
0x78: {  	_ =	shalt  }
0x79: {  	_ =	shalt  }
0x7a: {  	_ =	shalt  }
0x7b: {  	_ =	shalt  }
0x7c: {  	_ =	shalt  }
0x7d: {  	_ =	shalt  }
0x7e: {  	_ =	shalt  }
0x7f: {  	_ =	shalt  }
0x80: {  	_ =	shalt  }
0x81: {  	_ =	shalt  }
0x82: {  	_ =	shalt  }
0x83: {  	_ =	shalt  }
0x84: {  	_ =	shalt  }
0x85: {  	_ =	shalt  }
0x86: {  	_ =	shalt  }
0x87: {  	_ =	shalt  }
.Lfunc_end0:
.L_simem_size_0:
called_computation_lowered:
.L_overlay_start_0:
0x88: {  	s2 =	sld [smem:$0x3FD9]  }
0x89: {  	s3 =	sld [smem:$0x3FFE];
	_ =	sdelay $0x1  }
0x8a: {  	s1 =	srdreg.scid  }
0x8b: {  	s0 =	sand.u32 $0x1, s1  }
0x8c: {  	s17 =	sshll.u32 s0, $0xA;
	s2 =	sadd.s32 s3, s2  }
0x8d: {  	s2 =	sadd.s32 s2, s17  }
0x8e: {  	[smem:$0x3FC2] =	sst s2  }
0x8f: {  	_ = 	snop  }
0x90: {  	s2 =	sld [smem:$0x3FC8]  }
0x91: {  	s18 =	sld [smem:$0x3FD0];
	(tm) =	ssettm $0x1  }
0x92: {  	s4 =	sld [smem:$0x3FFB];
	_ =	sdelay $0x3  }
0x93: {  	_ =	strace s4  }
0x94: {  	s4 =	sld [smem:$0x3FFC];
	_ =	sdelay $0x3  }
0x95: {  	_ =	strace s4  }
0x96: {  	s4 =	sld [smem:$0x3FFD];
	_ =	sdelay $0x3  }
0x97: {  	_ =	strace s4  }
0x98: {  	_ =	strace $0x8FFFFFFF  }
0x99: {  	s19 =	sld [smem:$0x3FDB];
	_ =	sdelay $0x1  }
0x9a: {  	s5 =	simm.s32 $_scs_section_size  }
0x9b: {  	s6 =	simm.s32 $_size__tile_overlayer_lowered;
	s7 =	simm.s32 $_tile_overlayer_lowered  }
0x9c: {  	s22 =	simm.s32 $0x1BFF;
	s21 =	sshll.u32 s7, $0x1;
	s4 =	sadd.s32 s5, s19  }
0x9d: {  	s8 =	simm.s32 $0x0;
	s20 =	sshll.u32 s6, $0x1;
	s6 =	sadd.s32 s21, s4  }
0x9e: {  	[timem:s8], [sflag:s22] =	dma.local [hbm:s6], s20  }
0x9f: {  	_ =	swait.ge [sflag:s22], s20  }
0xa0: {  	s5 =	ssub.s32 $0x0, s20;
	[sflag:s22] =	ssyncset.done $0x0  }
0xa1: {  	[sflag:s22] =	ssyncadd.s32 s5;
	_ =	sdelay $0x1  }
0xa2: {  	s23 =	simm.s32 $0x1B8B  }
0xa3: {  	_ =	swait.ge [sflag:s23], $0x1  }
0xa4: {  	[sflag:s23] =	ssyncset.done $0x0  }
0xa5: {  	s25 =	simm.s32 $0x1B8E;
	s24 =	sld [smem:$0x3FFE];
	[sflag:s23] =	ssyncadd.s32 $0xFFFFFFFF  }
0xa6: {  	s26 =	simm.s32 $execute0_lowered;
	[smem:$0x3FD2] =	sst s25  }
0xa7: {  	s6 =	sshll.u32 s26, $0x1;
	_ =	strace $0x80000046;
	[dreg:$0x1] =	wrdreg $0xFFFFFFFF  }
0xa8: {  	s28 =	simm.s32 $_size_execute0_lowered;
	s4 =	sadd.s32 s4, s6;
	[dreg:$0x0] =	wrdreg $0x0  }
0xa9: {  	s6 =	sshll.u32 s28, $0x1;
	[dreg:$0x2] =	wrdreg s4  }
0xaa: {  	[dreg:$0x3] =	wrdreg s6  }
0xab: {  	[dreg:$0x4] =	wrdreg $0xC0  }
0xac: {  	_ =	task [dreg:s8], $0x5FFFF  }
0xad: {  	[dreg:$0x1] =	wrdreg $0xFFFFFFFF  }
0xae: {  	[dreg:$0x0] =	wrdreg $0x60  }
0xaf: {  	[dreg:$0x2] =	wrdreg s18  }
0xb0: {  	[dreg:$0x3] =	wrdreg s2  }
0xb1: {  	[dreg:$0x4] =	wrdreg s24  }
0xb2: {  	[dreg:$0x5] =	wrdreg $0x9  }
0xb3: {  	_ =	task.clear_ibuf [dreg:s8], $0x6FFFF;
	_ =	strace $0x90000046  }
0xb4: {  	s29 =	simm.s32 $0x9;
	_ =	strace $0x80000048  }
0xb5: {  	_ =	swait.ge [sflag:s29], $0x1  }
0xb6: {  	[sflag:s29] =	ssyncadd.s32 $0xFFFFFFFF  }
0xb7: {  	_ =	strace $0x90000048  }
0xb8: {  	_ =	sfence  }
0xb9: {  	s30 =	sld [smem:$0x0];
	_ =	sdelay $0x2  }
0xba: {  	s31 =	sshll.u32 s1, $0xD;
	s1 =	sshrl.u32 s1, $0x2  }
0xbb: {  	s3 =	sand.u32 $0x4000, s31;
	s1 =	sadd.s32 s1, s30  }
0xbc: {  	s0 =	sor.u32 s3, s0;
	s1 =	sshll.u32 s1, $0x11  }
0xbd: {  	s0 =	sor.u32 s1, s0  }
0xbe: {  	s0 =	sadd.s32 $0x8F2B, s0  }
0xbf: {  	[sflag:s0] =	ssyncadd.remote.s32 $0x1  }
0xc0: {  	_ =	sfence.sel $0xFFFF  }
0xc1: {  	[dreg:$0x0] =	wrdreg $0xFFFFFFFF;
	(pc) =	sbr.abs _section_cstart, $3  }
0xc2: {  	[dreg:$0x1] =	wrdreg $0xFFFFFFFF  }
0xc3: {  	_ =	task.clear_ibuf [dreg:s8], $0x2FFFF;
	_ =	strace $0x9FFFFFFF  }
0xc4: {  	(tm) =	ssettm $0x7FFFFFFF  }
0xc5: {  	_ =	shalt  }
tec
execute0_lowered:
.L_overlay_start_1:
0x0: {  	(tag) =	ssettag $0x1  }
0x1: {  	s1 =	srdreg.scid;
	s0 =	stileid.u32  }
0x2: {  	s2 =	rddreg [dreg:$0x0];
	s16 =	sand.u32 $0x1, s1;
	s26 =	sshll.u32 s0, $0x1  }
0x3: {  	s15 =	rddreg [dreg:$0x1];
	s8 =	sor.u32 s16, s26  }
0x4: {  	s9 =	rddreg [dreg:$0x2];
	s18 =	smul.u32 $0x61A8, s8  }
0x5: {  	s3 =	simm.s32 $0x0;
	s1 =	rddreg [dreg:$0x3]  }
0x6: {  	[smem:$0x7FF] =	sst s3;
	s4 =	sshrl.u32 s18, $0x3  }
0x7: {  	_ =	strace $0x80000047;
	s5 =	sadd.s32 s15, s4;
	s4 =	simm.s32 $0x2  }
0x8: {  	[tilespmem:s3], [sflag:$0x2] =	stream.linear.gather [hbm4b:s5+s3], $0x1388, $0x38;
	[tilespmem:$0x14C08] =	vst v63  }
0x9: {  	_ =	swait.ge [sflag:s4], $0x1388  }
0xa: {  	[sflag:s4] =	ssyncset.done $0x0  }
0xb: {  	s6 =	simm.s32 $0x1388;
	s7 =	simm.s32 $0x1;
	[sflag:s4] =	ssyncadd.s32 $0xFFFFEC78  }
0xc: {  	[tilespmem:s6], [sflag:$0x1] =	stream.indirect.gather [hbm4b:s2+s6], $0x10, s3, s6, $0xb8;
	[tilespmem:$0x14C08] =	vst v63  }
0xd: {  	s8 =	smul.u32 $0xC350, s8;
	_ =	swait.ge [sflag:s7], $0x13880  }
0xe: {  	s17 =	sadd.s32 $0x1200, s9;
	[sflag:s7] =	ssyncset.done $0x0  }
0xf: {  	s8 =	sadd.s32 s17, s8;
	[sflag:s7] =	ssyncadd.s32 $0xFFFEC780  }
0x10: {  	[hbm4b:s8+s3] =	stream.linear.scatter [tilespmem:s6], [sflag:$0x2], $0x13880, $0x38;
	[tilespmem:$0x14C08] =	vst v63  }
0x11: {  	s10 =	sadd.s32 $0x1388, s18;
	_ =	swait.ge [sflag:s4], $0x13880  }
0x12: {  	s28 =	sshrl.u32 s10, $0x3;
	[sflag:s4] =	ssyncset.done $0x0  }
0x13: {  	s9 =	sadd.s32 s15, s28;
	[sflag:s4] =	ssyncadd.s32 $0xFFFEC780  }
0x14: {  	[tilespmem:s3], [sflag:$0x2] =	stream.linear.gather [hbm4b:s9+s3], $0x1388, $0x38;
	[tilespmem:$0x14C08] =	vst v63  }
0x15: {  	_ =	swait.ge [sflag:s4], $0x1388  }
0x16: {  	[sflag:s4] =	ssyncset.done $0x0  }
0x17: {  	[sflag:s4] =	ssyncadd.s32 $0xFFFFEC78  }
0x18: {  	[tilespmem:s6], [sflag:$0x1] =	stream.indirect.gather [hbm4b:s2+s6], $0x10, s3, s6, $0xb8;
	[tilespmem:$0x14C08] =	vst v63  }
0x19: {  	_ =	swait.ge [sflag:s7], $0x13880  }
0x1a: {  	s10 =	sshll.u32 s10, $0x1;
	[sflag:s7] =	ssyncset.done $0x0  }
0x1b: {  	s10 =	sadd.s32 s17, s10;
	[sflag:s7] =	ssyncadd.s32 $0xFFFEC780  }
0x1c: {  	[hbm4b:s10+s3] =	stream.linear.scatter [tilespmem:s6], [sflag:$0x2], $0x13880, $0x38;
	[tilespmem:$0x14C08] =	vst v63  }
0x1d: {  	s12 =	sadd.s32 $0x2710, s18;
	_ =	swait.ge [sflag:s4], $0x13880  }
0x1e: {  	s11 =	sshrl.u32 s12, $0x3;
	[sflag:s4] =	ssyncset.done $0x0  }
0x1f: {  	s11 =	sadd.s32 s15, s11;
	[sflag:s4] =	ssyncadd.s32 $0xFFFEC780  }
0x20: {  	[tilespmem:s3], [sflag:$0x2] =	stream.linear.gather [hbm4b:s11+s3], $0x1388, $0x38;
	[tilespmem:$0x14C08] =	vst v63  }
0x21: {  	_ =	swait.ge [sflag:s4], $0x1388  }
0x22: {  	[sflag:s4] =	ssyncset.done $0x0  }
0x23: {  	[sflag:s4] =	ssyncadd.s32 $0xFFFFEC78  }
0x24: {  	[tilespmem:s6], [sflag:$0x1] =	stream.indirect.gather [hbm4b:s2+s6], $0x10, s3, s6, $0xb8;
	[tilespmem:$0x14C08] =	vst v63  }
0x25: {  	_ =	swait.ge [sflag:s7], $0x13880  }
0x26: {  	s12 =	sshll.u32 s12, $0x1;
	[sflag:s7] =	ssyncset.done $0x0  }
0x27: {  	s12 =	sadd.s32 s17, s12;
	[sflag:s7] =	ssyncadd.s32 $0xFFFEC780  }
0x28: {  	[hbm4b:s12+s3] =	stream.linear.scatter [tilespmem:s6], [sflag:$0x2], $0x13880, $0x38;
	[tilespmem:$0x14C08] =	vst v63  }
0x29: {  	s14 =	sadd.s32 $0x3A98, s18;
	_ =	swait.ge [sflag:s4], $0x13880  }
0x2a: {  	s13 =	sshrl.u32 s14, $0x3;
	[sflag:s4] =	ssyncset.done $0x0  }
0x2b: {  	s13 =	sadd.s32 s15, s13;
	[sflag:s4] =	ssyncadd.s32 $0xFFFEC780  }
0x2c: {  	[tilespmem:s3], [sflag:$0x2] =	stream.linear.gather [hbm4b:s13+s3], $0x1388, $0x38;
	[tilespmem:$0x14C08] =	vst v63  }
0x2d: {  	_ =	swait.ge [sflag:s4], $0x1388  }
0x2e: {  	[sflag:s4] =	ssyncset.done $0x0  }
0x2f: {  	[sflag:s4] =	ssyncadd.s32 $0xFFFFEC78  }
0x30: {  	[tilespmem:s6], [sflag:$0x1] =	stream.indirect.gather [hbm4b:s2+s6], $0x10, s3, s6, $0xb8;
	[tilespmem:$0x14C08] =	vst v63  }
0x31: {  	_ =	swait.ge [sflag:s7], $0x13880  }
0x32: {  	s14 =	sshll.u32 s14, $0x1;
	[sflag:s7] =	ssyncset.done $0x0  }
0x33: {  	s14 =	sadd.s32 s17, s14;
	[sflag:s7] =	ssyncadd.s32 $0xFFFEC780  }
0x34: {  	[hbm4b:s14+s3] =	stream.linear.scatter [tilespmem:s6], [sflag:$0x2], $0x13880, $0x38;
	[tilespmem:$0x14C08] =	vst v63  }
0x35: {  	s18 =	sadd.s32 $0x4E20, s18;
	_ =	swait.ge [sflag:s4], $0x13880  }
0x36: {  	s19 =	sshrl.u32 s18, $0x3;
	[sflag:s4] =	ssyncset.done $0x0  }
0x37: {  	s16 =	ssub.s32 $0x2, s16;
	s15 =	sadd.s32 s15, s19;
	[sflag:s4] =	ssyncadd.s32 $0xFFFEC780  }
0x38: {  	[tilespmem:s3], [sflag:$0x2] =	stream.linear.gather [hbm4b:s15+s3], $0x1388, $0x38;
	[tilespmem:$0x14C08] =	vst v63  }
0x39: {  	s29 =	sshrl.u32 s16, $0x1;
	_ =	swait.ge [sflag:s4], $0x1388  }
0x3a: {  	s19 =	ssub.s32 s16, s29;
	[sflag:s4] =	ssyncset.done $0x0  }
0x3b: {  	s31 =	smax.u32 s19, $0x1;
	[sflag:s4] =	ssyncadd.s32 $0xFFFFEC78  }
0x3c: {  	[tilespmem:s6], [sflag:$0x1] =	stream.indirect.gather [hbm4b:s2+s6], $0x10, s3, s6, $0xb8;
	[tilespmem:$0x14C08] =	vst v63  }
0x3d: {  	p0 =	sne.s32 s31, $0x1;
	_ =	swait.ge [sflag:s7], $0x13880  }
.Ltmp0:
0x3e: {  	s30 =	sshll.u32 s18, $0x1;
	[sflag:s7] =	ssyncset.done $0x0;
	(pc) =	sbr.rel @!p0 .LBB2_2-.Ltmp0, $4  }
0x3f: {  	s16 =	sadd.s32 s17, s30;
	[sflag:s7] =	ssyncadd.s32 $0xFFFEC780  }
0x40: {  	[hbm4b:s16+s3] =	stream.linear.scatter [tilespmem:s6], [sflag:$0x2], $0x13880, $0x38;
	[tilespmem:$0x14C08] =	vst v63  }
0x41: {  	_ =	swait.ge [sflag:s4], $0x13880  }
0x42: {  	s17 =	sadd.s32 $0xFFFFFFFF, s31;
	[sflag:s4] =	ssyncset.done $0x0  }
.LBB2_1:
0x43: {  	p0 =	sne.s32 s17, $0x1;
	s17 =	sadd.s32 $0xFFFFFFFF, s17;
	[sflag:s4] =	ssyncadd.s32 $0xFFFEC780  }
0x44: {  	[tilespmem:s3], [sflag:$0x2] =	stream.linear.gather [hbm4b:s5+s3], $0x1388, $0x38;
	[tilespmem:$0x14C08] =	vst v63  }
0x45: {  	_ =	swait.ge [sflag:s4], $0x1388  }
0x46: {  	[sflag:s4] =	ssyncset.done $0x0  }
0x47: {  	[sflag:s4] =	ssyncadd.s32 $0xFFFFEC78  }
0x48: {  	[tilespmem:s6], [sflag:$0x1] =	stream.indirect.gather [hbm4b:s2+s6], $0x10, s3, s6, $0xb8;
	[tilespmem:$0x14C08] =	vst v63  }
0x49: {  	_ =	swait.ge [sflag:s7], $0x13880  }
0x4a: {  	[sflag:s7] =	ssyncset.done $0x0  }
0x4b: {  	[sflag:s7] =	ssyncadd.s32 $0xFFFEC780  }
0x4c: {  	[hbm4b:s8+s3] =	stream.linear.scatter [tilespmem:s6], [sflag:$0x2], $0x13880, $0x38;
	[tilespmem:$0x14C08] =	vst v63  }
0x4d: {  	_ =	swait.ge [sflag:s4], $0x13880  }
0x4e: {  	[sflag:s4] =	ssyncset.done $0x0  }
0x4f: {  	[sflag:s4] =	ssyncadd.s32 $0xFFFEC780  }
0x50: {  	[tilespmem:s3], [sflag:$0x2] =	stream.linear.gather [hbm4b:s9+s3], $0x1388, $0x38;
	[tilespmem:$0x14C08] =	vst v63  }
0x51: {  	_ =	swait.ge [sflag:s4], $0x1388  }
0x52: {  	[sflag:s4] =	ssyncset.done $0x0  }
0x53: {  	[sflag:s4] =	ssyncadd.s32 $0xFFFFEC78  }
0x54: {  	[tilespmem:s6], [sflag:$0x1] =	stream.indirect.gather [hbm4b:s2+s6], $0x10, s3, s6, $0xb8;
	[tilespmem:$0x14C08] =	vst v63  }
0x55: {  	_ =	swait.ge [sflag:s7], $0x13880  }
0x56: {  	[sflag:s7] =	ssyncset.done $0x0  }
0x57: {  	[sflag:s7] =	ssyncadd.s32 $0xFFFEC780  }
0x58: {  	[hbm4b:s10+s3] =	stream.linear.scatter [tilespmem:s6], [sflag:$0x2], $0x13880, $0x38;
	[tilespmem:$0x14C08] =	vst v63  }
0x59: {  	_ =	swait.ge [sflag:s4], $0x13880  }
0x5a: {  	[sflag:s4] =	ssyncset.done $0x0  }
0x5b: {  	[sflag:s4] =	ssyncadd.s32 $0xFFFEC780  }
0x5c: {  	[tilespmem:s3], [sflag:$0x2] =	stream.linear.gather [hbm4b:s11+s3], $0x1388, $0x38;
	[tilespmem:$0x14C08] =	vst v63  }
0x5d: {  	_ =	swait.ge [sflag:s4], $0x1388  }
0x5e: {  	[sflag:s4] =	ssyncset.done $0x0  }
0x5f: {  	[sflag:s4] =	ssyncadd.s32 $0xFFFFEC78  }
0x60: {  	[tilespmem:s6], [sflag:$0x1] =	stream.indirect.gather [hbm4b:s2+s6], $0x10, s3, s6, $0xb8;
	[tilespmem:$0x14C08] =	vst v63  }
0x61: {  	_ =	swait.ge [sflag:s7], $0x13880  }
0x62: {  	[sflag:s7] =	ssyncset.done $0x0  }
0x63: {  	[sflag:s7] =	ssyncadd.s32 $0xFFFEC780  }
0x64: {  	[hbm4b:s12+s3] =	stream.linear.scatter [tilespmem:s6], [sflag:$0x2], $0x13880, $0x38;
	[tilespmem:$0x14C08] =	vst v63  }
0x65: {  	_ =	swait.ge [sflag:s4], $0x13880  }
0x66: {  	[sflag:s4] =	ssyncset.done $0x0  }
0x67: {  	[sflag:s4] =	ssyncadd.s32 $0xFFFEC780  }
0x68: {  	[tilespmem:s3], [sflag:$0x2] =	stream.linear.gather [hbm4b:s13+s3], $0x1388, $0x38;
	[tilespmem:$0x14C08] =	vst v63  }
0x69: {  	_ =	swait.ge [sflag:s4], $0x1388  }
0x6a: {  	[sflag:s4] =	ssyncset.done $0x0  }
0x6b: {  	[sflag:s4] =	ssyncadd.s32 $0xFFFFEC78  }
0x6c: {  	[tilespmem:s6], [sflag:$0x1] =	stream.indirect.gather [hbm4b:s2+s6], $0x10, s3, s6, $0xb8;
	[tilespmem:$0x14C08] =	vst v63  }
0x6d: {  	_ =	swait.ge [sflag:s7], $0x13880  }
0x6e: {  	[sflag:s7] =	ssyncset.done $0x0  }
0x6f: {  	[sflag:s7] =	ssyncadd.s32 $0xFFFEC780  }
0x70: {  	[hbm4b:s14+s3] =	stream.linear.scatter [tilespmem:s6], [sflag:$0x2], $0x13880, $0x38;
	[tilespmem:$0x14C08] =	vst v63  }
0x71: {  	_ =	swait.ge [sflag:s4], $0x13880  }
0x72: {  	[sflag:s4] =	ssyncset.done $0x0  }
0x73: {  	[sflag:s4] =	ssyncadd.s32 $0xFFFEC780  }
0x74: {  	[tilespmem:s3], [sflag:$0x2] =	stream.linear.gather [hbm4b:s15+s3], $0x1388, $0x38;
	[tilespmem:$0x14C08] =	vst v63  }
0x75: {  	_ =	swait.ge [sflag:s4], $0x1388  }
0x76: {  	[sflag:s4] =	ssyncset.done $0x0  }
0x77: {  	[sflag:s4] =	ssyncadd.s32 $0xFFFFEC78  }
0x78: {  	[tilespmem:s6], [sflag:$0x1] =	stream.indirect.gather [hbm4b:s2+s6], $0x10, s3, s6, $0xb8;
	[tilespmem:$0x14C08] =	vst v63  }
0x79: {  	_ =	swait.ge [sflag:s7], $0x13880  }
.Ltmp1:
0x7a: {  	[sflag:s7] =	ssyncset.done $0x0;
	(pc) =	sbr.rel @p0 .LBB2_1-.Ltmp1, $4  }
0x7b: {  	[sflag:s7] =	ssyncadd.s32 $0xFFFEC780  }
0x7c: {  	[hbm4b:s16+s3] =	stream.linear.scatter [tilespmem:s6], [sflag:$0x2], $0x13880, $0x38;
	[tilespmem:$0x14C08] =	vst v63  }
0x7d: {  	_ =	swait.ge [sflag:s4], $0x13880  }
0x7e: {  	[sflag:s4] =	ssyncset.done $0x0  }
.LBB2_2:
0x7f: {  	[sflag:s4] =	ssyncadd.s32 $0xFFFEC780  }
0x80: {  	_ =	sfence.sel $0x180000  }
0x81: {  	[bflag:$0x0] =	sbarrier.arrive $0xFFFF  }
0x82: {  	p0 =	sne.s32 s0, $0x0;
	_ =	strace $0x90000047  }
0x83: {  	s0 =	sadd.s32 @!p0 $0x100000, s1;
	[bflag:$0x2] =	sbarrier.arrive $0xFFFF  }
0x84: {  	[sflag:s0] =	ssyncadd.tile.s32 @!p0 $0x1;
	_ =	shalt  }
.Lfunc_end2:
_tile_overlayer_lowered:
.L_overlay_start_2:
0x85: {  	(tag) =	ssettag $0x2  }
0x86: {  	s0 =	rddreg [dreg:$0x0];
	s2 =	stileid.u32  }
0x87: {  	s1 =	rddreg [dreg:$0x1];
	p0 =	sne.s32 s2, $0x0  }
0x88: {  	s3 =	rddreg [dreg:$0x2];
	[bflag:$0x3] =	sbarrier.arrive $0xFFFF;
	s2 =	simm.s32 @!p0 $0x1C02  }
0x89: {  	[timem:s3], [sflag:s2] =	dma.local @!p0 [hbm:s0], s1  }
0x8a: {  	s0 =	simm.s32 @!p0 $0x2  }
0x8b: {  	_ =	swait.ge @!p0 [sflag:s0], s1  }
0x8c: {  	s1 =	ssub.s32 @!p0 $0x0, s1;
	[sflag:s0] =	ssyncset.done @!p0 $0x0  }
0x8d: {  	[sflag:s0] =	ssyncadd.s32 @!p0 s1  }
0x8e: {  	[bflag:$0x3] =	sbarrier.arrive $0xFFFF  }
0x8f: {  	_ =	shalt  }

</sc_bundles>
